<compile_context>
chip_gen: v7x
topology: tpu7x:2x2x1
jax: 0.10.2.dev20260603
libtpu: 0.0.44.dev20260713+nightly
codegen_flags: <defaults>
</compile_context>

<pallas_src>
import functools

import jax
import jax.numpy as jnp
from jax import lax
from jax.experimental import pallas as pl
from jax.experimental.pallas import tpu as pltpu
from jax.experimental.pallas import tpu_sc as plsc

G = 10000
N = 320000
NC = 2
NS = 16
NW = NC * NS

B1 = 3200
PER_W = N // NW
CHUNK = 80
SW = 256
GPAD = 10240
BG = 2000


def _atom_mlp_body(sp_ref, f0_ref, f1_ref, f2_ref, idx_ref, m1_ref, b1_ref,
                   w2_ref, b2_ref, out_ref, cnt_ref):
    b = pl.program_id(0)

    @pl.when(b == 0)
    def _zero():
        cnt_ref[...] = jnp.zeros_like(cnt_ref)

    sp = sp_ref[...]
    rows = lax.broadcasted_iota(jnp.int32, (128, B1), 0)
    onehot_t = (rows == sp).astype(jnp.float32)
    a = jnp.concatenate(
        [onehot_t, f0_ref[...], f1_ref[...], f2_ref[...]], axis=0)
    h = lax.dot_general(a.astype(jnp.bfloat16), m1_ref[...],
                        (((0,), (0,)), ((), ())),
                        preferred_element_type=jnp.float32) + b1_ref[...]
    h = jnp.maximum(h, 0.0)
    out_ref[...] = (jnp.dot(h.astype(jnp.bfloat16), w2_ref[...],
                            preferred_element_type=jnp.float32)
                    + b2_ref[...])

    iv = idx_ref[...]
    lo = idx_ref[0, 0]
    hi = idx_ref[0, B1 - 1]
    base = (lo // SW) * SW
    n_strips = (hi - base) // SW + 1

    def strip(k, _):
        off = base + k * SW
        srows = off + lax.broadcasted_iota(jnp.int32, (SW, B1), 0)
        m = (srows == iv).astype(jnp.float32)
        cnt_ref[pl.ds(off, SW), :] += jnp.sum(m, axis=1, keepdims=True)
        return 0

    lax.fori_loop(0, n_strips, strip, 0)


def _atom_mlp(species_row, f0, f1, f2, idx_row, m1_aug, b1r, w2_t, b2r):
    grid = N // B1
    return pl.pallas_call(
        _atom_mlp_body,
        grid=(grid,),
        in_specs=[
            pl.BlockSpec((1, B1), lambda i: (0, i)),
            pl.BlockSpec((1, B1), lambda i: (0, i)),
            pl.BlockSpec((1, B1), lambda i: (0, i)),
            pl.BlockSpec((1, B1), lambda i: (0, i)),
            pl.BlockSpec((1, B1), lambda i: (0, i)),
            pl.BlockSpec((131, 128), lambda i: (0, 0)),
            pl.BlockSpec((1, 128), lambda i: (0, 0)),
            pl.BlockSpec((128, 128), lambda i: (0, 0)),
            pl.BlockSpec((1, 128), lambda i: (0, 0)),
        ],
        out_specs=[pl.BlockSpec((B1, 128), lambda i: (i, 0)),
                   pl.BlockSpec((GPAD, 1), lambda i: (0, 0))],
        out_shape=[jax.ShapeDtypeStruct((N, 128), jnp.float32),
                   jax.ShapeDtypeStruct((GPAD, 1), jnp.float32)],
        compiler_params=pltpu.CompilerParams(
            dimension_semantics=("arbitrary",)),
    )(species_row, f0, f1, f2, idx_row, m1_aug, b1r, w2_t, b2r)


def _seg_sum_sc(atom_feat, idx1d, zeros_p):
    mesh = plsc.VectorSubcoreMesh(core_axis_name="c", subcore_axis_name="s")
    n_iter = PER_W // CHUNK

    @functools.partial(
        pl.kernel, mesh=mesh,
        out_type=[jax.ShapeDtypeStruct((NC, G, 128), jnp.float32)],
        scratch_types=[
            pltpu.VMEM((CHUNK, 128), jnp.float32),
            pltpu.VMEM((CHUNK, 128), jnp.float32),
            pltpu.VMEM((CHUNK,), jnp.int32),
            pltpu.VMEM((CHUNK,), jnp.int32),
            pltpu.SemaphoreType.DMA,
            pltpu.SemaphoreType.DMA,
            pltpu.SemaphoreType.DMA,
            pltpu.SemaphoreType.DMA,
            pltpu.VMEM_SHARED((G, 128), jnp.float32),
        ],
    )
    def k(af_hbm, idx_hbm, zp_hbm, pp_hbm, rows0, rows1, iv0, iv1,
          sem0, sem1, ssem0, ssem1, shared_p):
        c = lax.axis_index("c")
        s = lax.axis_index("s")
        wid = c * NS + s
        base_w = wid * PER_W
        rows_b = (rows0, rows1)
        iv_b = (iv0, iv1)
        sem_b = (sem0, sem1)
        ssem_b = (ssem0, ssem1)

        @pl.when(s == 0)
        def _init():
            pltpu.sync_copy(zp_hbm, shared_p)

        plsc.subcore_barrier()

        def fire(i, slot):
            rb = base_w + i * CHUNK
            pltpu.async_copy(idx_hbm.at[pl.ds(rb, CHUNK)], iv_b[slot],
                             sem_b[slot])
            pltpu.async_copy(af_hbm.at[pl.ds(rb, CHUNK)], rows_b[slot],
                             sem_b[slot])

        def wait_loads(i, slot):
            rb = base_w + i * CHUNK
            pltpu.make_async_copy(idx_hbm.at[pl.ds(rb, CHUNK)], iv_b[slot],
                                  sem_b[slot]).wait()
            pltpu.make_async_copy(af_hbm.at[pl.ds(rb, CHUNK)], rows_b[slot],
                                  sem_b[slot]).wait()

        def fire_scatter(slot):
            pltpu.async_copy(rows_b[slot], shared_p.at[iv_b[slot]],
                             ssem_b[slot], add=True)

        def wait_scatter(slot):
            pltpu.make_async_copy(rows_b[slot], shared_p.at[iv_b[slot]],
                                  ssem_b[slot]).wait()

        fire(0, 0)
        fire(1, 1)

        def body(p, _):
            i0 = 2 * p
            wait_loads(i0, 0)
            fire_scatter(0)
            wait_loads(i0 + 1, 1)
            fire_scatter(1)
            wait_scatter(0)

            @pl.when(i0 + 2 < n_iter)
            def _f0():
                fire(i0 + 2, 0)

            wait_scatter(1)

            @pl.when(i0 + 3 < n_iter)
            def _f1():
                fire(i0 + 3, 1)

            return 0

        lax.fori_loop(0, n_iter // 2, body, 0)
        wait_loads(n_iter - 1, 0)
        pltpu.sync_copy(rows_b[0], shared_p.at[iv_b[0]], add=True)

        plsc.subcore_barrier()

        @pl.when(s == 0)
        def _flush():
            pltpu.sync_copy(shared_p, pp_hbm.at[c])

    return k(atom_feat, idx1d, zeros_p)[0]


def _graph_mlp_body(pp_ref, cc_ref, lat_ref, w3p_ref, w3l_ref, b3_ref,
                    w4_ref, b4_ref, mu_ref, lv_ref):
    pooled = pp_ref[0] + pp_ref[1]
    pooled = pooled / cc_ref[...]
    h2 = (jnp.dot(pooled, w3p_ref[...], preferred_element_type=jnp.float32)
          + jnp.dot(lat_ref[...], w3l_ref[...], preferred_element_type=jnp.float32)
          + b3_ref[...])
    h2 = jnp.maximum(h2, 0.0)
    params = (jnp.dot(h2, w4_ref[...], preferred_element_type=jnp.float32)
              + b4_ref[...])
    mu_ref[...] = params[:, :128]
    lv_ref[...] = params[:, 128:]


def _graph_mlp(pp, cc, lat9, w3p_t, w3l_t, b3r, w4_t, b4r):
    grid = G // BG
    return pl.pallas_call(
        _graph_mlp_body,
        grid=(grid,),
        in_specs=[
            pl.BlockSpec((NC, BG, 128), lambda i: (0, i, 0)),
            pl.BlockSpec((BG, 1), lambda i: (i, 0)),
            pl.BlockSpec((BG, 9), lambda i: (i, 0)),
            pl.BlockSpec((128, 128), lambda i: (0, 0)),
            pl.BlockSpec((9, 128), lambda i: (0, 0)),
            pl.BlockSpec((1, 128), lambda i: (0, 0)),
            pl.BlockSpec((128, 256), lambda i: (0, 0)),
            pl.BlockSpec((1, 256), lambda i: (0, 0)),
        ],
        out_specs=[pl.BlockSpec((BG, 128), lambda i: (i, 0)),
                   pl.BlockSpec((BG, 128), lambda i: (i, 0))],
        out_shape=[jax.ShapeDtypeStruct((G, 128), jnp.float32),
                   jax.ShapeDtypeStruct((G, 128), jnp.float32)],
        compiler_params=pltpu.CompilerParams(
            dimension_semantics=("parallel",)),
    )(pp, cc, lat9, w3p_t, w3l_t, b3r, w4_t, b4r)


def kernel(lattice, fracs, species, batch_indices, emb, W1, b1, W2, b2,
           W3, b3, W4, b4):
    idx1d = batch_indices.astype(jnp.int32)
    species_row = species.astype(jnp.int32).reshape(1, N)

    emb_p = jnp.zeros((128, 32), jnp.float32).at[:100].set(emb)
    m1_aug = jnp.concatenate(
        [emb_p @ W1[:, :32].T, W1[:, 32:].T], axis=0).astype(jnp.bfloat16)
    w2_t = W2.T.astype(jnp.bfloat16)
    f0 = fracs[:, 0].reshape(1, N)
    f1 = fracs[:, 1].reshape(1, N)
    f2 = fracs[:, 2].reshape(1, N)
    w3p_t = W3[:, :128].T
    w3l_t = W3[:, 128:].T
    w4_t = W4.T

    atom_feat, counts = _atom_mlp(species_row, f0, f1, f2, idx1d.reshape(1, N),
                                  m1_aug, b1.reshape(1, 128), w2_t,
                                  b2.reshape(1, 128))
    cc = counts[:G]

    zeros_p = jnp.zeros((G, 128), jnp.float32)
    pp = _seg_sum_sc(atom_feat, idx1d, zeros_p)

    lat9 = lattice.reshape(G, 9)
    mu, logvar = _graph_mlp(pp, cc, lat9, w3p_t, w3l_t,
                            b3.reshape(1, 128), w4_t, b4.reshape(1, 256))
    return (mu, logvar)

# --- scband reference (transcript-rebuilt; emitter-appended) ---
"""Pipeline reference for scband-simple-encoder-31559419691880 (READ-ONLY COPY).

The authoritative reference and input builder live on the scoring server;
editing this copy changes nothing except your own understanding.
"""

import jax, jax.numpy as jnp
import numpy as np

G = 10000
N = 320000
LATENT = 128

def _linear_params(key, out_d, in_d):
    bound = 1.0 / np.sqrt(in_d)
    kw, kb = jax.random.split(key)
    W = jax.random.uniform(kw, (out_d, in_d), minval=-bound, maxval=bound, dtype=jnp.float32)
    b = jax.random.uniform(kb, (out_d,), minval=-bound, maxval=bound, dtype=jnp.float32)
    return W, b

def setup_inputs(seed: int = 0):
    key = jax.random.key(seed)
    ks = jax.random.split(key, 9)
    lattice = jax.random.normal(ks[0], (G, 3, 3), dtype=jnp.float32)
    fracs = jax.random.uniform(ks[1], (N, 3), dtype=jnp.float32)
    species = jax.random.randint(ks[2], (N,), 0, 100)
    batch_indices = jnp.sort(jax.random.randint(ks[3], (N,), 0, G))
    emb = jax.random.normal(ks[4], (100, 32), dtype=jnp.float32)
    emb = emb.at[0].set(0.0)  # padding_idx=0
    W1, b1 = _linear_params(ks[5], 128, 32 + 3)
    W2, b2 = _linear_params(ks[6], 128, 128)
    W3, b3 = _linear_params(ks[7], 128, 128 + 9)
    W4, b4 = _linear_params(ks[8], 2 * LATENT, 128)
    return {"lattice": lattice, "fracs": fracs, "species": species, "batch_indices": batch_indices,
            "emb": emb, "W1": W1, "b1": b1, "W2": W2, "b2": b2, "W3": W3, "b3": b3, "W4": W4, "b4": b4}

def reference(lattice, fracs, species, batch_indices, emb, W1, b1, W2, b2, W3, b3, W4, b4):
    x = jnp.concatenate([jnp.take(emb, species, axis=0), fracs], axis=1)
    h = jax.nn.relu(x @ W1.T + b1)
    atom_feat = h @ W2.T + b2
    pooled = jax.ops.segment_sum(atom_feat, batch_indices, num_segments=G)
    atom_counts = jnp.bincount(batch_indices, length=G).astype(jnp.float32).reshape(-1, 1)
    pooled = pooled / atom_counts
    combined = jnp.concatenate([pooled, lattice.reshape(G, 9)], axis=1)
    h2 = jax.nn.relu(combined @ W3.T + b3)
    params = h2 @ W4.T + b4
    mu, logvar = jnp.split(params, 2, axis=-1)
    return (mu, logvar)

if __name__ == "__main__":
    import jax
    _d = setup_inputs()
    print(jax.jit(kernel)(*tuple(_d.values())))

</pallas_src>

<mosaic_0001>
#map = affine_map<(d0, d1) -> (0, 0)>
#map1 = affine_map<(d0, d1) -> (0)>
#map2 = affine_map<(d0, d1) -> (0, 0, 0)>
module attributes {stable_mosaic.version = 14 : i64} {
  func.func @k(%arg0: i32, %arg1: i32, %arg2: memref<320000x128xf32, #tpu.memory_space<hbm>>, %arg3: memref<320000xi32, #tpu.memory_space<hbm>>, %arg4: memref<10000x128xf32, #tpu.memory_space<hbm>>, %arg5: memref<2x10000x128xf32, #tpu.memory_space<hbm>>, %arg6: memref<80x128xf32, #tpu.memory_space<vmem>>, %arg7: memref<80x128xf32, #tpu.memory_space<vmem>>, %arg8: memref<80xi32, #tpu.memory_space<vmem>>, %arg9: memref<80xi32, #tpu.memory_space<vmem>>, %arg10: memref<!tpu.dma_semaphore, #tpu.memory_space<semaphore_mem>>, %arg11: memref<!tpu.dma_semaphore, #tpu.memory_space<semaphore_mem>>, %arg12: memref<!tpu.dma_semaphore, #tpu.memory_space<semaphore_mem>>, %arg13: memref<!tpu.dma_semaphore, #tpu.memory_space<semaphore_mem>>, %arg14: memref<10000x128xf32, #tpu.memory_space<vmem_shared>>) attributes {dimension_semantics = [#tpu.dimension_semantics<core_parallel>, #tpu.dimension_semantics<subcore_parallel>], iteration_bounds = array<i64: 2, 16>, scalar_prefetch = 0 : i64, scratch_operands = 9 : i64, tpu.core_type = #tpu.core_type<sc_vector_subcore>, window_params = [{transform_indices = #map}, {transform_indices = #map1}, {transform_indices = #map}, {transform_indices = #map2}]} {
    %mul3A = arith.constant 16 : i32
    %mul3A_0 = arith.muli %arg0, %mul3A : i32
    %add3A = arith.addi %mul3A_0, %arg1 : i32
    %mul3A_1 = arith.constant 10000 : i32
    %mul3A_2 = arith.muli %add3A, %mul3A_1 : i32
    %eq3A = arith.constant 0 : i32
    %eq3A_3 = arith.cmpi eq, %arg1, %eq3A : i32
    %convert_element_type3A = arith.extui %eq3A_3 : i1 to i32
    %cond3A = arith.constant 0 : i32
    %cond3A_4 = arith.cmpi ne, %convert_element_type3A, %cond3A : i32
    scf.if %cond3A_4 {
      "tpu.region"() ({
        %run_scoped3A = tpu.sem_alloc : memref<!tpu.dma_semaphore, #tpu.memory_space<semaphore_mem>>
        tpu.enqueue_dma source(%arg4 : memref<10000x128xf32, #tpu.memory_space<hbm>>) target(%arg14 : memref<10000x128xf32, #tpu.memory_space<vmem_shared>>) target_semaphore(%run_scoped3A : memref<!tpu.dma_semaphore, #tpu.memory_space<semaphore_mem>>)
        tpu.wait_dma2 semaphore(%run_scoped3A : memref<!tpu.dma_semaphore, #tpu.memory_space<semaphore_mem>>) src(%arg4 : memref<10000x128xf32, #tpu.memory_space<hbm>>) dst(%arg14 : memref<10000x128xf32, #tpu.memory_space<vmem_shared>>)
        tpu.yield
      }) : () -> ()
    } else {
    }
    %barrier3A = arith.constant 0 : index
    tpu.barrier barrier_id(%barrier3A)
    %add3A_5 = arith.constant 0 : i32
    %add3A_6 = arith.addi %mul3A_2, %add3A_5 : i32
    %dma_start3A = tpu.memref_slice %arg3[%add3A_6] : memref<320000xi32, #tpu.memory_space<hbm>> -> memref<80xi32, #tpu.memory_space<hbm>>
    %dma_start3A_7 = tpu.memref_slice %arg3[%add3A_6] : memref<320000xi32, #tpu.memory_space<hbm>> -> memref<80xi32, #tpu.memory_space<hbm>>
    tpu.enqueue_dma source(%dma_start3A_7 : memref<80xi32, #tpu.memory_space<hbm>>) target(%arg8 : memref<80xi32, #tpu.memory_space<vmem>>) target_semaphore(%arg10 : memref<!tpu.dma_semaphore, #tpu.memory_space<semaphore_mem>>)
    %dma_start3A_8 = arith.constant 0 : i32
    %dma_start3A_9 = tpu.memref_slice %arg2[%add3A_6, %dma_start3A_8] : memref<320000x128xf32, #tpu.memory_space<hbm>> -> memref<80x128xf32, #tpu.memory_space<hbm>>
    %dma_start3A_10 = arith.constant 0 : i32
    %dma_start3A_11 = tpu.memref_slice %arg2[%add3A_6, %dma_start3A_10] : memref<320000x128xf32, #tpu.memory_space<hbm>> -> memref<80x128xf32, #tpu.memory_space<hbm>>
    tpu.enqueue_dma source(%dma_start3A_11 : memref<80x128xf32, #tpu.memory_space<hbm>>) target(%arg6 : memref<80x128xf32, #tpu.memory_space<vmem>>) target_semaphore(%arg10 : memref<!tpu.dma_semaphore, #tpu.memory_space<semaphore_mem>>)
    %add3A_12 = arith.constant 80 : i32
    %add3A_13 = arith.addi %mul3A_2, %add3A_12 : i32
    %dma_start3A_14 = tpu.memref_slice %arg3[%add3A_13] : memref<320000xi32, #tpu.memory_space<hbm>> -> memref<80xi32, #tpu.memory_space<hbm>>
    %dma_start3A_15 = tpu.memref_slice %arg3[%add3A_13] : memref<320000xi32, #tpu.memory_space<hbm>> -> memref<80xi32, #tpu.memory_space<hbm>>
    tpu.enqueue_dma source(%dma_start3A_15 : memref<80xi32, #tpu.memory_space<hbm>>) target(%arg9 : memref<80xi32, #tpu.memory_space<vmem>>) target_semaphore(%arg11 : memref<!tpu.dma_semaphore, #tpu.memory_space<semaphore_mem>>)
    %dma_start3A_16 = arith.constant 0 : i32
    %dma_start3A_17 = tpu.memref_slice %arg2[%add3A_13, %dma_start3A_16] : memref<320000x128xf32, #tpu.memory_space<hbm>> -> memref<80x128xf32, #tpu.memory_space<hbm>>
    %dma_start3A_18 = arith.constant 0 : i32
    %dma_start3A_19 = tpu.memref_slice %arg2[%add3A_13, %dma_start3A_18] : memref<320000x128xf32, #tpu.memory_space<hbm>> -> memref<80x128xf32, #tpu.memory_space<hbm>>
    tpu.enqueue_dma source(%dma_start3A_19 : memref<80x128xf32, #tpu.memory_space<hbm>>) target(%arg7 : memref<80x128xf32, #tpu.memory_space<vmem>>) target_semaphore(%arg11 : memref<!tpu.dma_semaphore, #tpu.memory_space<semaphore_mem>>)
    %scan3A = arith.constant 0 : i32
    %scan3A_20 = arith.constant 0 : i32
    %scan3A_21 = arith.constant 62 : i32
    %scan3A_22 = arith.addi %scan3A_20, %scan3A_21 : i32
    %scan3A_23 = arith.constant 1 : i32
    %scan3A_24 = scf.for %scan3A_39 = %scan3A_20 to %scan3A_22 step %scan3A_23 iter_args(%scan3A_40 = %scan3A) -> (i32)  : i32 {
      %mul3A_41 = arith.constant 2 : i32
      %mul3A_42 = arith.muli %mul3A_41, %scan3A_39 : i32
      %mul3A_43 = arith.constant 80 : i32
      %mul3A_44 = arith.muli %mul3A_42, %mul3A_43 : i32
      %add3A_45 = arith.addi %mul3A_2, %mul3A_44 : i32
      %dma_wait3A_46 = tpu.memref_slice %arg3[%add3A_45] : memref<320000xi32, #tpu.memory_space<hbm>> -> memref<80xi32, #tpu.memory_space<hbm>>
      %dma_wait3A_47 = tpu.memref_slice %arg3[%add3A_45] : memref<320000xi32, #tpu.memory_space<hbm>> -> memref<80xi32, #tpu.memory_space<hbm>>
      tpu.wait_dma2 semaphore(%arg10 : memref<!tpu.dma_semaphore, #tpu.memory_space<semaphore_mem>>) src(%dma_wait3A_47 : memref<80xi32, #tpu.memory_space<hbm>>) dst(%arg8 : memref<80xi32, #tpu.memory_space<vmem>>)
      %dma_wait3A_48 = arith.constant 0 : i32
      %dma_wait3A_49 = tpu.memref_slice %arg2[%add3A_45, %dma_wait3A_48] : memref<320000x128xf32, #tpu.memory_space<hbm>> -> memref<80x128xf32, #tpu.memory_space<hbm>>
      %dma_wait3A_50 = arith.constant 0 : i32
      %dma_wait3A_51 = tpu.memref_slice %arg2[%add3A_45, %dma_wait3A_50] : memref<320000x128xf32, #tpu.memory_space<hbm>> -> memref<80x128xf32, #tpu.memory_space<hbm>>
      tpu.wait_dma2 semaphore(%arg10 : memref<!tpu.dma_semaphore, #tpu.memory_space<semaphore_mem>>) src(%dma_wait3A_51 : memref<80x128xf32, #tpu.memory_space<hbm>>) dst(%arg6 : memref<80x128xf32, #tpu.memory_space<vmem>>)
      %dma_start3A_52 = arith.constant 0 : i32
      %dma_start3A_53 = arith.constant 0 : i32
      %dma_start3A_54 = tpu.memref_slice %arg14[%dma_start3A_52, %dma_start3A_53] : memref<10000x128xf32, #tpu.memory_space<vmem_shared>> -> memref<10000x128xf32, #tpu.memory_space<vmem_shared>>
      tpu.enqueue_indirect_dma source(%arg6 : memref<80x128xf32, #tpu.memory_space<vmem>>) target(%dma_start3A_54 : memref<10000x128xf32, #tpu.memory_space<vmem_shared>>) offsets(%arg8 : memref<80xi32, #tpu.memory_space<vmem>>) semaphore(%arg12 : memref<!tpu.dma_semaphore, #tpu.memory_space<semaphore_mem>>) {add = true}
      %add3A_55 = arith.constant 1 : i32
      %add3A_56 = arith.addi %mul3A_42, %add3A_55 : i32
      %mul3A_57 = arith.constant 80 : i32
      %mul3A_58 = arith.muli %add3A_56, %mul3A_57 : i32
      %add3A_59 = arith.addi %mul3A_2, %mul3A_58 : i32
      %dma_wait3A_60 = tpu.memref_slice %arg3[%add3A_59] : memref<320000xi32, #tpu.memory_space<hbm>> -> memref<80xi32, #tpu.memory_space<hbm>>
      %dma_wait3A_61 = tpu.memref_slice %arg3[%add3A_59] : memref<320000xi32, #tpu.memory_space<hbm>> -> memref<80xi32, #tpu.memory_space<hbm>>
      tpu.wait_dma2 semaphore(%arg11 : memref<!tpu.dma_semaphore, #tpu.memory_space<semaphore_mem>>) src(%dma_wait3A_61 : memref<80xi32, #tpu.memory_space<hbm>>) dst(%arg9 : memref<80xi32, #tpu.memory_space<vmem>>)
      %dma_wait3A_62 = arith.constant 0 : i32
      %dma_wait3A_63 = tpu.memref_slice %arg2[%add3A_59, %dma_wait3A_62] : memref<320000x128xf32, #tpu.memory_space<hbm>> -> memref<80x128xf32, #tpu.memory_space<hbm>>
      %dma_wait3A_64 = arith.constant 0 : i32
      %dma_wait3A_65 = tpu.memref_slice %arg2[%add3A_59, %dma_wait3A_64] : memref<320000x128xf32, #tpu.memory_space<hbm>> -> memref<80x128xf32, #tpu.memory_space<hbm>>
      tpu.wait_dma2 semaphore(%arg11 : memref<!tpu.dma_semaphore, #tpu.memory_space<semaphore_mem>>) src(%dma_wait3A_65 : memref<80x128xf32, #tpu.memory_space<hbm>>) dst(%arg7 : memref<80x128xf32, #tpu.memory_space<vmem>>)
      %dma_start3A_66 = arith.constant 0 : i32
      %dma_start3A_67 = arith.constant 0 : i32
      %dma_start3A_68 = tpu.memref_slice %arg14[%dma_start3A_66, %dma_start3A_67] : memref<10000x128xf32, #tpu.memory_space<vmem_shared>> -> memref<10000x128xf32, #tpu.memory_space<vmem_shared>>
      tpu.enqueue_indirect_dma source(%arg7 : memref<80x128xf32, #tpu.memory_space<vmem>>) target(%dma_start3A_68 : memref<10000x128xf32, #tpu.memory_space<vmem_shared>>) offsets(%arg9 : memref<80xi32, #tpu.memory_space<vmem>>) semaphore(%arg13 : memref<!tpu.dma_semaphore, #tpu.memory_space<semaphore_mem>>) {add = true}
      %dma_wait3A_69 = arith.constant 0 : i32
      %dma_wait3A_70 = arith.constant 0 : i32
      %dma_wait3A_71 = tpu.memref_slice %arg14[%dma_wait3A_69, %dma_wait3A_70] : memref<10000x128xf32, #tpu.memory_space<vmem_shared>> -> memref<10000x128xf32, #tpu.memory_space<vmem_shared>>
      tpu.wait_indirect_dma semaphore(%arg12 : memref<!tpu.dma_semaphore, #tpu.memory_space<semaphore_mem>>) src(%arg6 : memref<80x128xf32, #tpu.memory_space<vmem>>) dst(%dma_wait3A_71 : memref<10000x128xf32, #tpu.memory_space<vmem_shared>>)
      %add3A_72 = arith.constant 2 : i32
      %add3A_73 = arith.addi %mul3A_42, %add3A_72 : i32
      %lt3A = arith.constant 125 : i32
      %lt3A_74 = arith.cmpi slt, %add3A_73, %lt3A : i32
      %convert_element_type3A_75 = arith.extui %lt3A_74 : i1 to i32
      %cond3A_76 = arith.constant 0 : i32
      %cond3A_77 = arith.cmpi ne, %convert_element_type3A_75, %cond3A_76 : i32
      scf.if %cond3A_77 {
        %add3A_89 = arith.constant 2 : i32
        %add3A_90 = arith.addi %mul3A_42, %add3A_89 : i32
        %mul3A_91 = arith.constant 80 : i32
        %mul3A_92 = arith.muli %add3A_90, %mul3A_91 : i32
        %add3A_93 = arith.addi %mul3A_2, %mul3A_92 : i32
        %dma_start3A_94 = tpu.memref_slice %arg3[%add3A_93] : memref<320000xi32, #tpu.memory_space<hbm>> -> memref<80xi32, #tpu.memory_space<hbm>>
        %dma_start3A_95 = tpu.memref_slice %arg3[%add3A_93] : memref<320000xi32, #tpu.memory_space<hbm>> -> memref<80xi32, #tpu.memory_space<hbm>>
        tpu.enqueue_dma source(%dma_start3A_95 : memref<80xi32, #tpu.memory_space<hbm>>) target(%arg8 : memref<80xi32, #tpu.memory_space<vmem>>) target_semaphore(%arg10 : memref<!tpu.dma_semaphore, #tpu.memory_space<semaphore_mem>>)
        %dma_start3A_96 = arith.constant 0 : i32
        %dma_start3A_97 = tpu.memref_slice %arg2[%add3A_93, %dma_start3A_96] : memref<320000x128xf32, #tpu.memory_space<hbm>> -> memref<80x128xf32, #tpu.memory_space<hbm>>
        %dma_start3A_98 = arith.constant 0 : i32
        %dma_start3A_99 = tpu.memref_slice %arg2[%add3A_93, %dma_start3A_98] : memref<320000x128xf32, #tpu.memory_space<hbm>> -> memref<80x128xf32, #tpu.memory_space<hbm>>
        tpu.enqueue_dma source(%dma_start3A_99 : memref<80x128xf32, #tpu.memory_space<hbm>>) target(%arg6 : memref<80x128xf32, #tpu.memory_space<vmem>>) target_semaphore(%arg10 : memref<!tpu.dma_semaphore, #tpu.memory_space<semaphore_mem>>)
      } else {
      }
      %dma_wait3A_78 = arith.constant 0 : i32
      %dma_wait3A_79 = arith.constant 0 : i32
      %dma_wait3A_80 = tpu.memref_slice %arg14[%dma_wait3A_78, %dma_wait3A_79] : memref<10000x128xf32, #tpu.memory_space<vmem_shared>> -> memref<10000x128xf32, #tpu.memory_space<vmem_shared>>
      tpu.wait_indirect_dma semaphore(%arg13 : memref<!tpu.dma_semaphore, #tpu.memory_space<semaphore_mem>>) src(%arg7 : memref<80x128xf32, #tpu.memory_space<vmem>>) dst(%dma_wait3A_80 : memref<10000x128xf32, #tpu.memory_space<vmem_shared>>)
      %add3A_81 = arith.constant 3 : i32
      %add3A_82 = arith.addi %mul3A_42, %add3A_81 : i32
      %lt3A_83 = arith.constant 125 : i32
      %lt3A_84 = arith.cmpi slt, %add3A_82, %lt3A_83 : i32
      %convert_element_type3A_85 = arith.extui %lt3A_84 : i1 to i32
      %cond3A_86 = arith.constant 0 : i32
      %cond3A_87 = arith.cmpi ne, %convert_element_type3A_85, %cond3A_86 : i32
      scf.if %cond3A_87 {
        %add3A_89 = arith.constant 3 : i32
        %add3A_90 = arith.addi %mul3A_42, %add3A_89 : i32
        %mul3A_91 = arith.constant 80 : i32
        %mul3A_92 = arith.muli %add3A_90, %mul3A_91 : i32
        %add3A_93 = arith.addi %mul3A_2, %mul3A_92 : i32
        %dma_start3A_94 = tpu.memref_slice %arg3[%add3A_93] : memref<320000xi32, #tpu.memory_space<hbm>> -> memref<80xi32, #tpu.memory_space<hbm>>
        %dma_start3A_95 = tpu.memref_slice %arg3[%add3A_93] : memref<320000xi32, #tpu.memory_space<hbm>> -> memref<80xi32, #tpu.memory_space<hbm>>
        tpu.enqueue_dma source(%dma_start3A_95 : memref<80xi32, #tpu.memory_space<hbm>>) target(%arg9 : memref<80xi32, #tpu.memory_space<vmem>>) target_semaphore(%arg11 : memref<!tpu.dma_semaphore, #tpu.memory_space<semaphore_mem>>)
        %dma_start3A_96 = arith.constant 0 : i32
        %dma_start3A_97 = tpu.memref_slice %arg2[%add3A_93, %dma_start3A_96] : memref<320000x128xf32, #tpu.memory_space<hbm>> -> memref<80x128xf32, #tpu.memory_space<hbm>>
        %dma_start3A_98 = arith.constant 0 : i32
        %dma_start3A_99 = tpu.memref_slice %arg2[%add3A_93, %dma_start3A_98] : memref<320000x128xf32, #tpu.memory_space<hbm>> -> memref<80x128xf32, #tpu.memory_space<hbm>>
        tpu.enqueue_dma source(%dma_start3A_99 : memref<80x128xf32, #tpu.memory_space<hbm>>) target(%arg7 : memref<80x128xf32, #tpu.memory_space<vmem>>) target_semaphore(%arg11 : memref<!tpu.dma_semaphore, #tpu.memory_space<semaphore_mem>>)
      } else {
      }
      %scan3A_88 = arith.constant 0 : i32
      scf.yield %scan3A_88 : i32
    }
    %scan3A_25 = arith.constant 62 : i32
    %add3A_26 = arith.constant 9920 : i32
    %add3A_27 = arith.addi %mul3A_2, %add3A_26 : i32
    %dma_wait3A = tpu.memref_slice %arg3[%add3A_27] : memref<320000xi32, #tpu.memory_space<hbm>> -> memref<80xi32, #tpu.memory_space<hbm>>
    %dma_wait3A_28 = tpu.memref_slice %arg3[%add3A_27] : memref<320000xi32, #tpu.memory_space<hbm>> -> memref<80xi32, #tpu.memory_space<hbm>>
    tpu.wait_dma2 semaphore(%arg10 : memref<!tpu.dma_semaphore, #tpu.memory_space<semaphore_mem>>) src(%dma_wait3A_28 : memref<80xi32, #tpu.memory_space<hbm>>) dst(%arg8 : memref<80xi32, #tpu.memory_space<vmem>>)
    %dma_wait3A_29 = arith.constant 0 : i32
    %dma_wait3A_30 = tpu.memref_slice %arg2[%add3A_27, %dma_wait3A_29] : memref<320000x128xf32, #tpu.memory_space<hbm>> -> memref<80x128xf32, #tpu.memory_space<hbm>>
    %dma_wait3A_31 = arith.constant 0 : i32
    %dma_wait3A_32 = tpu.memref_slice %arg2[%add3A_27, %dma_wait3A_31] : memref<320000x128xf32, #tpu.memory_space<hbm>> -> memref<80x128xf32, #tpu.memory_space<hbm>>
    tpu.wait_dma2 semaphore(%arg10 : memref<!tpu.dma_semaphore, #tpu.memory_space<semaphore_mem>>) src(%dma_wait3A_32 : memref<80x128xf32, #tpu.memory_space<hbm>>) dst(%arg6 : memref<80x128xf32, #tpu.memory_space<vmem>>)
    "tpu.region"() ({
      %run_scoped3A = tpu.sem_alloc : memref<!tpu.dma_semaphore, #tpu.memory_space<semaphore_mem>>
      %dma_start3A_39 = arith.constant 0 : i32
      %dma_start3A_40 = arith.constant 0 : i32
      %dma_start3A_41 = tpu.memref_slice %arg14[%dma_start3A_39, %dma_start3A_40] : memref<10000x128xf32, #tpu.memory_space<vmem_shared>> -> memref<10000x128xf32, #tpu.memory_space<vmem_shared>>
      tpu.enqueue_indirect_dma source(%arg6 : memref<80x128xf32, #tpu.memory_space<vmem>>) target(%dma_start3A_41 : memref<10000x128xf32, #tpu.memory_space<vmem_shared>>) offsets(%arg8 : memref<80xi32, #tpu.memory_space<vmem>>) semaphore(%run_scoped3A : memref<!tpu.dma_semaphore, #tpu.memory_space<semaphore_mem>>) {add = true}
      %dma_wait3A_42 = arith.constant 0 : i32
      %dma_wait3A_43 = arith.constant 0 : i32
      %dma_wait3A_44 = tpu.memref_slice %arg14[%dma_wait3A_42, %dma_wait3A_43] : memref<10000x128xf32, #tpu.memory_space<vmem_shared>> -> memref<10000x128xf32, #tpu.memory_space<vmem_shared>>
      tpu.wait_indirect_dma semaphore(%run_scoped3A : memref<!tpu.dma_semaphore, #tpu.memory_space<semaphore_mem>>) src(%arg6 : memref<80x128xf32, #tpu.memory_space<vmem>>) dst(%dma_wait3A_44 : memref<10000x128xf32, #tpu.memory_space<vmem_shared>>)
      tpu.yield
    }) : () -> ()
    %barrier3A_33 = arith.constant 0 : index
    tpu.barrier barrier_id(%barrier3A_33)
    %eq3A_34 = arith.constant 0 : i32
    %eq3A_35 = arith.cmpi eq, %arg1, %eq3A_34 : i32
    %convert_element_type3A_36 = arith.extui %eq3A_35 : i1 to i32
    %cond3A_37 = arith.constant 0 : i32
    %cond3A_38 = arith.cmpi ne, %convert_element_type3A_36, %cond3A_37 : i32
    scf.if %cond3A_38 {
      "tpu.region"() ({
        %run_scoped3A = tpu.sem_alloc : memref<!tpu.dma_semaphore, #tpu.memory_space<semaphore_mem>>
        %dma_start3A_39 = arith.constant 0 : i32
        %dma_start3A_40 = arith.constant 0 : i32
        %dma_start3A_41 = tpu.memref_slice %arg5[%arg0, %dma_start3A_39, %dma_start3A_40] : memref<2x10000x128xf32, #tpu.memory_space<hbm>> -> memref<1x10000x128xf32, #tpu.memory_space<hbm>>
        %dma_start3A_42 = tpu.memref_squeeze %dma_start3A_41 : memref<1x10000x128xf32, #tpu.memory_space<hbm>> -> memref<10000x128xf32, #tpu.memory_space<hbm>>
        tpu.enqueue_dma source(%arg14 : memref<10000x128xf32, #tpu.memory_space<vmem_shared>>) target(%dma_start3A_42 : memref<10000x128xf32, #tpu.memory_space<hbm>>) target_semaphore(%run_scoped3A : memref<!tpu.dma_semaphore, #tpu.memory_space<semaphore_mem>>)
        %dma_wait3A_43 = arith.constant 0 : i32
        %dma_wait3A_44 = arith.constant 0 : i32
        %dma_wait3A_45 = tpu.memref_slice %arg5[%arg0, %dma_wait3A_43, %dma_wait3A_44] : memref<2x10000x128xf32, #tpu.memory_space<hbm>> -> memref<1x10000x128xf32, #tpu.memory_space<hbm>>
        %dma_wait3A_46 = tpu.memref_squeeze %dma_wait3A_45 : memref<1x10000x128xf32, #tpu.memory_space<hbm>> -> memref<10000x128xf32, #tpu.memory_space<hbm>>
        tpu.wait_dma2 semaphore(%run_scoped3A : memref<!tpu.dma_semaphore, #tpu.memory_space<semaphore_mem>>) src(%arg14 : memref<10000x128xf32, #tpu.memory_space<vmem_shared>>) dst(%dma_wait3A_46 : memref<10000x128xf32, #tpu.memory_space<hbm>>)
        tpu.yield
      }) : () -> ()
    } else {
    }
    return
  }
}

module attributes {stable_mosaic.version = 14 : i64} {
  func.func @_atom_mlp_body(%arg0: i32, %arg1: memref<1x3200xi32, #tpu.memory_space<vmem>>, %arg2: memref<1x3200xf32, #tpu.memory_space<vmem>>, %arg3: memref<1x3200xf32, #tpu.memory_space<vmem>>, %arg4: memref<1x3200xf32, #tpu.memory_space<vmem>>, %arg5: memref<1x3200xi32, #tpu.memory_space<vmem>>, %arg6: memref<131x128xbf16, #tpu.memory_space<vmem>>, %arg7: memref<1x128xf32, #tpu.memory_space<vmem>>, %arg8: memref<128x128xbf16, #tpu.memory_space<vmem>>, %arg9: memref<1x128xf32, #tpu.memory_space<vmem>>, %arg10: memref<3200x128xf32, #tpu.memory_space<vmem>>, %arg11: memref<10240x1xf32, #tpu.memory_space<vmem>>) attributes {dimension_semantics = [#tpu.dimension_semantics<arbitrary>], iteration_bounds = array<i64: 100>, scalar_prefetch = 0 : i64, scratch_operands = 0 : i64, tpu.core_type = #tpu.core_type<tc>, window_params = [{transform_indices = @transform_0, window_bounds = array<i64: 1, 3200>}, {transform_indices = @transform_1, window_bounds = array<i64: 1, 3200>}, {transform_indices = @transform_2, window_bounds = array<i64: 1, 3200>}, {transform_indices = @transform_3, window_bounds = array<i64: 1, 3200>}, {transform_indices = @transform_4, window_bounds = array<i64: 1, 3200>}, {pipeline_mode = #tpu.pipeline_mode<synchronous>, transform_indices = @transform_5, window_bounds = array<i64: 131, 128>}, {pipeline_mode = #tpu.pipeline_mode<synchronous>, transform_indices = @transform_6, window_bounds = array<i64: 1, 128>}, {pipeline_mode = #tpu.pipeline_mode<synchronous>, transform_indices = @transform_7, window_bounds = array<i64: 128, 128>}, {pipeline_mode = #tpu.pipeline_mode<synchronous>, transform_indices = @transform_8, window_bounds = array<i64: 1, 128>}, {transform_indices = @transform_9, window_bounds = array<i64: 3200, 128>}, {pipeline_mode = #tpu.pipeline_mode<synchronous>, transform_indices = @transform_10, window_bounds = array<i64: 10240, 1>}]} {
    %eq3A = arith.constant 0 : i32
    %eq3A_0 = arith.cmpi eq, %arg0, %eq3A : i32
    %convert_element_type3A = arith.extui %eq3A_0 : i1 to i32
    %cond3A = arith.constant 0 : i32
    %cond3A_1 = arith.cmpi ne, %convert_element_type3A, %cond3A : i32
    scf.if %cond3A_1 {
      %broadcast_in_dim3A = arith.constant 0.000000e+00 : f32
      %broadcast_in_dim3A_107 = vector.broadcast %broadcast_in_dim3A : f32 to vector<10240x1xf32>
      %swap3A_108 = arith.constant 0 : index
      %swap3A_109 = arith.constant 0 : index
      %swap3A_110 = vector.load %arg11[%swap3A_108, %swap3A_109] : memref<10240x1xf32, #tpu.memory_space<vmem>>, vector<10240x1xf32>
      tpu.vector_store %arg11[%swap3A_108, %swap3A_109], %broadcast_in_dim3A_107 {strides = array<i32>} : memref<10240x1xf32, #tpu.memory_space<vmem>>, vector<10240x1xf32>,
    } else {
    }
    %get3A = arith.constant 0 : index
    %get3A_2 = arith.constant 0 : index
    %get3A_3 = vector.load %arg1[%get3A, %get3A_2] : memref<1x3200xi32, #tpu.memory_space<vmem>>, vector<1x3200xi32>
    %iota3A = tpu.iota {dimensions = array<i32: 0>} : vector<128x3200xi32>
    %eq3A_4 = vector.broadcast %get3A_3 : vector<1x3200xi32> to vector<128x3200xi32>
    %eq3A_5 = arith.cmpi eq, %iota3A, %eq3A_4 : vector<128x3200xi32>
    %convert_element_type3A_6 = arith.extui %eq3A_5 : vector<128x3200xi1> to vector<128x3200xi32>
    %convert_element_type3A_7 = arith.sitofp %convert_element_type3A_6 : vector<128x3200xi32> to vector<128x3200xf32>
    %get3A_8 = arith.constant 0 : index
    %get3A_9 = arith.constant 0 : index
    %get3A_10 = vector.load %arg2[%get3A_8, %get3A_9] : memref<1x3200xf32, #tpu.memory_space<vmem>>, vector<1x3200xf32>
    %get3A_11 = arith.constant 0 : index
    %get3A_12 = arith.constant 0 : index
    %get3A_13 = vector.load %arg3[%get3A_11, %get3A_12] : memref<1x3200xf32, #tpu.memory_space<vmem>>, vector<1x3200xf32>
    %get3A_14 = arith.constant 0 : index
    %get3A_15 = arith.constant 0 : index
    %get3A_16 = vector.load %arg4[%get3A_14, %get3A_15] : memref<1x3200xf32, #tpu.memory_space<vmem>>, vector<1x3200xf32>
    %concatenate3A = tpu.concatenate %convert_element_type3A_7, %get3A_10, %get3A_13, %get3A_16 in 0 : vector<128x3200xf32>, vector<1x3200xf32>, vector<1x3200xf32>, vector<1x3200xf32> -> vector<131x3200xf32>
    %convert_element_type3A_17 = arith.truncf %concatenate3A : vector<131x3200xf32> to vector<131x3200xbf16>
    %get3A_18 = arith.constant 0 : index
    %get3A_19 = arith.constant 0 : index
    %get3A_20 = vector.load %arg6[%get3A_18, %get3A_19] : memref<131x128xbf16, #tpu.memory_space<vmem>>, vector<131x128xbf16>
    %dot_general3A = arith.constant dense<0.000000e+00> : vector<3200x128xf32>
    %dot_general3A_21 = tpu.matmul %convert_element_type3A_17, %get3A_20, %dot_general3A {dimension_numbers = #tpu.dot_dimension_numbers<[0], [0], [1], [1], [0, 1, 1, 1], [], []>, transpose_lhs_hint = false} : vector<131x3200xbf16>, vector<131x128xbf16>, vector<3200x128xf32> -> vector<3200x128xf32>
    %get3A_22 = arith.constant 0 : index
    %get3A_23 = arith.constant 0 : index
    %get3A_24 = vector.load %arg7[%get3A_22, %get3A_23] : memref<1x128xf32, #tpu.memory_space<vmem>>, vector<1x128xf32>
    %add3A = vector.broadcast %get3A_24 : vector<1x128xf32> to vector<3200x128xf32>
    %add3A_25 = arith.addf %dot_general3A_21, %add3A : vector<3200x128xf32>
    %max3A = arith.constant 0.000000e+00 : f32
    %max3A_26 = vector.broadcast %max3A : f32 to vector<3200x128xf32>
    %max3A_27 = arith.maximumf %add3A_25, %max3A_26 : vector<3200x128xf32>
    %convert_element_type3A_28 = arith.truncf %max3A_27 : vector<3200x128xf32> to vector<3200x128xbf16>
    %get3A_29 = arith.constant 0 : index
    %get3A_30 = arith.constant 0 : index
    %get3A_31 = vector.load %arg8[%get3A_29, %get3A_30] : memref<128x128xbf16, #tpu.memory_space<vmem>>, vector<128x128xbf16>
    %dot_general3A_32 = arith.constant dense<0.000000e+00> : vector<3200x128xf32>
    %dot_general3A_33 = tpu.matmul %convert_element_type3A_28, %get3A_31, %dot_general3A_32 {dimension_numbers = #tpu.dot_dimension_numbers<[1], [0], [0], [1], [0, 0, 1, 1], [], []>, transpose_lhs_hint = false} : vector<3200x128xbf16>, vector<128x128xbf16>, vector<3200x128xf32> -> vector<3200x128xf32>
    %get3A_34 = arith.constant 0 : index
    %get3A_35 = arith.constant 0 : index
    %get3A_36 = vector.load %arg9[%get3A_34, %get3A_35] : memref<1x128xf32, #tpu.memory_space<vmem>>, vector<1x128xf32>
    %add3A_37 = vector.broadcast %get3A_36 : vector<1x128xf32> to vector<3200x128xf32>
    %add3A_38 = arith.addf %dot_general3A_33, %add3A_37 : vector<3200x128xf32>
    %swap3A = arith.constant 0 : index
    %swap3A_39 = arith.constant 0 : index
    %swap3A_40 = vector.load %arg10[%swap3A, %swap3A_39] : memref<3200x128xf32, #tpu.memory_space<vmem>>, vector<3200x128xf32>
    tpu.vector_store %arg10[%swap3A, %swap3A_39], %add3A_38 {strides = array<i32>} : memref<3200x128xf32, #tpu.memory_space<vmem>>, vector<3200x128xf32>,
    %get3A_41 = arith.constant 0 : index
    %get3A_42 = arith.constant 0 : index
    %get3A_43 = vector.load %arg5[%get3A_41, %get3A_42] : memref<1x3200xi32, #tpu.memory_space<vmem>>, vector<1x3200xi32>
    %get3A_44 = arith.constant 0 : index
    %get3A_45 = arith.constant 0 : index
    %get3A_46 = vector.load %arg5[%get3A_44, %get3A_45] : memref<1x3200xi32, #tpu.memory_space<vmem>>, vector<1x1xi32>
    %get3A_47 = vector.extract %get3A_46[0, 0] : i32 from vector<1x1xi32>
    %get3A_48 = arith.constant 0 : index
    %get3A_49 = arith.constant 3199 : index
    %get3A_50 = vector.load %arg5[%get3A_48, %get3A_49] : memref<1x3200xi32, #tpu.memory_space<vmem>>, vector<1x1xi32>
    %get3A_51 = vector.extract %get3A_50[0, 0] : i32 from vector<1x1xi32>
    %jit3A = arith.constant 256 : i32
    %div3A = arith.divsi %get3A_47, %jit3A : i32
    %sign3A = arith.constant 0 : i32
    %sign3A_52 = arith.cmpi sgt, %get3A_47, %sign3A : i32
    %sign3A_53 = arith.extui %sign3A_52 : i1 to i32
    %sign3A_54 = arith.constant 0 : i32
    %sign3A_55 = arith.cmpi slt, %get3A_47, %sign3A_54 : i32
    %sign3A_56 = arith.extui %sign3A_55 : i1 to i32
    %sign3A_57 = arith.subi %sign3A_53, %sign3A_56 : i32
    %sign3A_58 = arith.constant 0 : i32
    %sign3A_59 = arith.cmpi sgt, %jit3A, %sign3A_58 : i32
    %sign3A_60 = arith.extui %sign3A_59 : i1 to i32
    %sign3A_61 = arith.constant 0 : i32
    %sign3A_62 = arith.cmpi slt, %jit3A, %sign3A_61 : i32
    %sign3A_63 = arith.extui %sign3A_62 : i1 to i32
    %sign3A_64 = arith.subi %sign3A_60, %sign3A_63 : i32
    %ne3A = arith.cmpi ne, %sign3A_57, %sign3A_64 : i32
    %rem3A = arith.remsi %get3A_47, %jit3A : i32
    %ne3A_65 = arith.constant 0 : i32
    %ne3A_66 = arith.cmpi ne, %rem3A, %ne3A_65 : i32
    %and3A = arith.andi %ne3A, %ne3A_66 : i1
    %sub3A = arith.constant 1 : i32
    %sub3A_67 = arith.subi %div3A, %sub3A : i32
    %select_n3A = arith.select %and3A, %sub3A_67, %div3A : i32
    %mul3A = arith.constant 256 : i32
    %mul3A_68 = arith.muli %select_n3A, %mul3A : i32
    %sub3A_69 = arith.subi %get3A_51, %mul3A_68 : i32
    %jit3A_70 = arith.constant 256 : i32
    %div3A_71 = arith.divsi %sub3A_69, %jit3A_70 : i32
    %sign3A_72 = arith.constant 0 : i32
    %sign3A_73 = arith.cmpi sgt, %sub3A_69, %sign3A_72 : i32
    %sign3A_74 = arith.extui %sign3A_73 : i1 to i32
    %sign3A_75 = arith.constant 0 : i32
    %sign3A_76 = arith.cmpi slt, %sub3A_69, %sign3A_75 : i32
    %sign3A_77 = arith.extui %sign3A_76 : i1 to i32
    %sign3A_78 = arith.subi %sign3A_74, %sign3A_77 : i32
    %sign3A_79 = arith.constant 0 : i32
    %sign3A_80 = arith.cmpi sgt, %jit3A_70, %sign3A_79 : i32
    %sign3A_81 = arith.extui %sign3A_80 : i1 to i32
    %sign3A_82 = arith.constant 0 : i32
    %sign3A_83 = arith.cmpi slt, %jit3A_70, %sign3A_82 : i32
    %sign3A_84 = arith.extui %sign3A_83 : i1 to i32
    %sign3A_85 = arith.subi %sign3A_81, %sign3A_84 : i32
    %ne3A_86 = arith.cmpi ne, %sign3A_78, %sign3A_85 : i32
    %rem3A_87 = arith.remsi %sub3A_69, %jit3A_70 : i32
    %ne3A_88 = arith.constant 0 : i32
    %ne3A_89 = arith.cmpi ne, %rem3A_87, %ne3A_88 : i32
    %and3A_90 = arith.andi %ne3A_86, %ne3A_89 : i1
    %sub3A_91 = arith.constant 1 : i32
    %sub3A_92 = arith.subi %div3A_71, %sub3A_91 : i32
    %select_n3A_93 = arith.select %and3A_90, %sub3A_92, %div3A_71 : i32
    %add3A_94 = arith.constant 1 : i32
    %add3A_95 = arith.addi %select_n3A_93, %add3A_94 : i32
    %while3A = arith.constant 0 : i32
    %while3A_96 = arith.constant 0 : i32
    %while3A_97 = arith.subi %add3A_95, %while3A : i32
    %while3A_98 = arith.addi %while3A, %while3A_97 : i32
    %while3A_99 = arith.constant 1 : i32
    %while3A_100 = arith.divsi %while3A_97, %while3A_99 : i32
    %while3A_101 = arith.muli %while3A_100, %while3A_99 : i32
    %while3A_102 = arith.addi %while3A, %while3A_101 : i32
    %while3A_103 = arith.constant 1 : i32
    %while3A_104 = scf.for %while3A_107 = %while3A to %while3A_102 step %while3A_103 iter_args(%while3A_108 = %while3A_96) -> (i32)  : i32 {
      %mul3A_109 = arith.constant 256 : i32
      %mul3A_110 = arith.muli %while3A_107, %mul3A_109 : i32
      %add3A_111 = arith.addi %mul3A_68, %mul3A_110 : i32
      %iota3A_112 = tpu.iota {dimensions = array<i32: 0>} : vector<256x3200xi32>
      %add3A_113 = vector.broadcast %add3A_111 : i32 to vector<256x3200xi32>
      %add3A_114 = arith.addi %add3A_113, %iota3A_112 : vector<256x3200xi32>
      %eq3A_115 = vector.broadcast %get3A_43 : vector<1x3200xi32> to vector<256x3200xi32>
      %eq3A_116 = arith.cmpi eq, %add3A_114, %eq3A_115 : vector<256x3200xi32>
      %convert_element_type3A_117 = arith.extui %eq3A_116 : vector<256x3200xi1> to vector<256x3200xi32>
      %convert_element_type3A_118 = arith.sitofp %convert_element_type3A_117 : vector<256x3200xi32> to vector<256x3200xf32>
      %get3A_119 = arith.index_cast %add3A_111 : i32 to index
      %get3A_120 = arith.constant 0 : index
      %get3A_121 = vector.load %arg11[%get3A_119, %get3A_120] : memref<10240x1xf32, #tpu.memory_space<vmem>>, vector<256x1xf32>
      %reduce_sum3A = arith.constant dense<0.000000e+00> : vector<256xf32>
      %reduce_sum3A_122 = vector.multi_reduction <add>, %convert_element_type3A_118, %reduce_sum3A [1] : vector<256x3200xf32> to vector<256xf32>
      %broadcast_in_dim3A = vector.shape_cast %reduce_sum3A_122 : vector<256xf32> to vector<256x1xf32>
      %add3A_123 = arith.addf %get3A_121, %broadcast_in_dim3A : vector<256x1xf32>
      %swap3A_124 = arith.index_cast %add3A_111 : i32 to index
      %swap3A_125 = arith.constant 0 : index
      %swap3A_126 = vector.load %arg11[%swap3A_124, %swap3A_125] : memref<10240x1xf32, #tpu.memory_space<vmem>>, vector<256x1xf32>
      tpu.vector_store %arg11[%swap3A_124, %swap3A_125], %add3A_123 {strides = array<i32>} : memref<10240x1xf32, #tpu.memory_space<vmem>>, vector<256x1xf32>,
      %while3A_127 = arith.constant 0 : i32
      scf.yield %while3A_127 : i32
    }
    %while3A_105 = arith.constant 1 : i32
    %while3A_106 = scf.for %while3A_107 = %while3A_102 to %while3A_98 step %while3A_105 iter_args(%while3A_108 = %while3A_104) -> (i32)  : i32 {
      %mul3A_109 = arith.constant 256 : i32
      %mul3A_110 = arith.muli %while3A_107, %mul3A_109 : i32
      %add3A_111 = arith.addi %mul3A_68, %mul3A_110 : i32
      %iota3A_112 = tpu.iota {dimensions = array<i32: 0>} : vector<256x3200xi32>
      %add3A_113 = vector.broadcast %add3A_111 : i32 to vector<256x3200xi32>
      %add3A_114 = arith.addi %add3A_113, %iota3A_112 : vector<256x3200xi32>
      %eq3A_115 = vector.broadcast %get3A_43 : vector<1x3200xi32> to vector<256x3200xi32>
      %eq3A_116 = arith.cmpi eq, %add3A_114, %eq3A_115 : vector<256x3200xi32>
      %convert_element_type3A_117 = arith.extui %eq3A_116 : vector<256x3200xi1> to vector<256x3200xi32>
      %convert_element_type3A_118 = arith.sitofp %convert_element_type3A_117 : vector<256x3200xi32> to vector<256x3200xf32>
      %get3A_119 = arith.index_cast %add3A_111 : i32 to index
      %get3A_120 = arith.constant 0 : index
      %get3A_121 = vector.load %arg11[%get3A_119, %get3A_120] : memref<10240x1xf32, #tpu.memory_space<vmem>>, vector<256x1xf32>
      %reduce_sum3A = arith.constant dense<0.000000e+00> : vector<256xf32>
      %reduce_sum3A_122 = vector.multi_reduction <add>, %convert_element_type3A_118, %reduce_sum3A [1] : vector<256x3200xf32> to vector<256xf32>
      %broadcast_in_dim3A = vector.shape_cast %reduce_sum3A_122 : vector<256xf32> to vector<256x1xf32>
      %add3A_123 = arith.addf %get3A_121, %broadcast_in_dim3A : vector<256x1xf32>
      %swap3A_124 = arith.index_cast %add3A_111 : i32 to index
      %swap3A_125 = arith.constant 0 : index
      %swap3A_126 = vector.load %arg11[%swap3A_124, %swap3A_125] : memref<10240x1xf32, #tpu.memory_space<vmem>>, vector<256x1xf32>
      tpu.vector_store %arg11[%swap3A_124, %swap3A_125], %add3A_123 {strides = array<i32>} : memref<10240x1xf32, #tpu.memory_space<vmem>>, vector<256x1xf32>,
      %while3A_127 = arith.constant 0 : i32
      scf.yield %while3A_127 : i32
    }
    return
  }
  func.func @transform_0(%arg0: i32) -> (i32, i32) {
    %c0_i32 = arith.constant 0 : i32
    %c0_i32_0 = arith.constant 0 : i32
    return %c0_i32, %arg0 : i32, i32
  }
  func.func @transform_1(%arg0: i32) -> (i32, i32) {
    %c0_i32 = arith.constant 0 : i32
    %c0_i32_0 = arith.constant 0 : i32
    return %c0_i32, %arg0 : i32, i32
  }
  func.func @transform_2(%arg0: i32) -> (i32, i32) {
    %c0_i32 = arith.constant 0 : i32
    %c0_i32_0 = arith.constant 0 : i32
    return %c0_i32, %arg0 : i32, i32
  }
  func.func @transform_3(%arg0: i32) -> (i32, i32) {
    %c0_i32 = arith.constant 0 : i32
    %c0_i32_0 = arith.constant 0 : i32
    return %c0_i32, %arg0 : i32, i32
  }
  func.func @transform_4(%arg0: i32) -> (i32, i32) {
    %c0_i32 = arith.constant 0 : i32
    %c0_i32_0 = arith.constant 0 : i32
    return %c0_i32, %arg0 : i32, i32
  }
  func.func @transform_5(%arg0: i32) -> (i32, i32) {
    %c0_i32 = arith.constant 0 : i32
    %c0_i32_0 = arith.constant 0 : i32
    %c0_i32_1 = arith.constant 0 : i32
    return %c0_i32, %c0_i32_0 : i32, i32
  }
  func.func @transform_6(%arg0: i32) -> (i32, i32) {
    %c0_i32 = arith.constant 0 : i32
    %c0_i32_0 = arith.constant 0 : i32
    %c0_i32_1 = arith.constant 0 : i32
    return %c0_i32, %c0_i32_0 : i32, i32
  }
  func.func @transform_7(%arg0: i32) -> (i32, i32) {
    %c0_i32 = arith.constant 0 : i32
    %c0_i32_0 = arith.constant 0 : i32
    %c0_i32_1 = arith.constant 0 : i32
    return %c0_i32, %c0_i32_0 : i32, i32
  }
  func.func @transform_8(%arg0: i32) -> (i32, i32) {
    %c0_i32 = arith.constant 0 : i32
    %c0_i32_0 = arith.constant 0 : i32
    %c0_i32_1 = arith.constant 0 : i32
    return %c0_i32, %c0_i32_0 : i32, i32
  }
  func.func @transform_9(%arg0: i32) -> (i32, i32) {
    %c0_i32 = arith.constant 0 : i32
    %c0_i32_0 = arith.constant 0 : i32
    return %arg0, %c0_i32 : i32, i32
  }
  func.func @transform_10(%arg0: i32) -> (i32, i32) {
    %c0_i32 = arith.constant 0 : i32
    %c0_i32_0 = arith.constant 0 : i32
    %c0_i32_1 = arith.constant 0 : i32
    return %c0_i32, %c0_i32_0 : i32, i32
  }
}

module attributes {stable_mosaic.version = 14 : i64} {
  func.func @_graph_mlp_body(%arg0: i32, %arg1: memref<2x2000x128xf32, #tpu.memory_space<vmem>>, %arg2: memref<2000x1xf32, #tpu.memory_space<vmem>>, %arg3: memref<2000x9xf32, #tpu.memory_space<vmem>>, %arg4: memref<128x128xf32, #tpu.memory_space<vmem>>, %arg5: memref<9x128xf32, #tpu.memory_space<vmem>>, %arg6: memref<1x128xf32, #tpu.memory_space<vmem>>, %arg7: memref<128x256xf32, #tpu.memory_space<vmem>>, %arg8: memref<1x256xf32, #tpu.memory_space<vmem>>, %arg9: memref<2000x128xf32, #tpu.memory_space<vmem>>, %arg10: memref<2000x128xf32, #tpu.memory_space<vmem>>) attributes {dimension_semantics = [#tpu.dimension_semantics<parallel>], iteration_bounds = array<i64: 5>, scalar_prefetch = 0 : i64, scratch_operands = 0 : i64, tpu.core_type = #tpu.core_type<tc>, window_params = [{transform_indices = @transform_0, window_bounds = array<i64: 2, 2000, 128>}, {transform_indices = @transform_1, window_bounds = array<i64: 2000, 1>}, {transform_indices = @transform_2, window_bounds = array<i64: 2000, 9>}, {pipeline_mode = #tpu.pipeline_mode<synchronous>, transform_indices = @transform_3, window_bounds = array<i64: 128, 128>}, {pipeline_mode = #tpu.pipeline_mode<synchronous>, transform_indices = @transform_4, window_bounds = array<i64: 9, 128>}, {pipeline_mode = #tpu.pipeline_mode<synchronous>, transform_indices = @transform_5, window_bounds = array<i64: 1, 128>}, {pipeline_mode = #tpu.pipeline_mode<synchronous>, transform_indices = @transform_6, window_bounds = array<i64: 128, 256>}, {pipeline_mode = #tpu.pipeline_mode<synchronous>, transform_indices = @transform_7, window_bounds = array<i64: 1, 256>}, {transform_indices = @transform_8, window_bounds = array<i64: 2000, 128>}, {transform_indices = @transform_9, window_bounds = array<i64: 2000, 128>}]} {
    %get3A = arith.constant 0 : index
    %get3A_0 = arith.constant 0 : index
    %get3A_1 = arith.constant 0 : index
    %get3A_2 = vector.load %arg1[%get3A, %get3A_0, %get3A_1] : memref<2x2000x128xf32, #tpu.memory_space<vmem>>, vector<1x2000x128xf32>
    %get3A_3 = vector.shape_cast %get3A_2 : vector<1x2000x128xf32> to vector<2000x128xf32>
    %get3A_4 = arith.constant 1 : index
    %get3A_5 = arith.constant 0 : index
    %get3A_6 = arith.constant 0 : index
    %get3A_7 = vector.load %arg1[%get3A_4, %get3A_5, %get3A_6] : memref<2x2000x128xf32, #tpu.memory_space<vmem>>, vector<1x2000x128xf32>
    %get3A_8 = vector.shape_cast %get3A_7 : vector<1x2000x128xf32> to vector<2000x128xf32>
    %add3A = arith.addf %get3A_3, %get3A_8 : vector<2000x128xf32>
    %get3A_9 = arith.constant 0 : index
    %get3A_10 = arith.constant 0 : index
    %get3A_11 = vector.load %arg2[%get3A_9, %get3A_10] : memref<2000x1xf32, #tpu.memory_space<vmem>>, vector<2000x1xf32>
    %div3A = vector.broadcast %get3A_11 : vector<2000x1xf32> to vector<2000x128xf32>
    %div3A_12 = arith.divf %add3A, %div3A : vector<2000x128xf32>
    %get3A_13 = arith.constant 0 : index
    %get3A_14 = arith.constant 0 : index
    %get3A_15 = vector.load %arg4[%get3A_13, %get3A_14] : memref<128x128xf32, #tpu.memory_space<vmem>>, vector<128x128xf32>
    %dot_general3A = arith.constant dense<0.000000e+00> : vector<2000x128xf32>
    %dot_general3A_16 = tpu.matmul %div3A_12, %get3A_15, %dot_general3A {dimension_numbers = #tpu.dot_dimension_numbers<[1], [0], [0], [1], [0, 0, 1, 1], [], []>, transpose_lhs_hint = false} : vector<2000x128xf32>, vector<128x128xf32>, vector<2000x128xf32> -> vector<2000x128xf32>
    %get3A_17 = arith.constant 0 : index
    %get3A_18 = arith.constant 0 : index
    %get3A_19 = vector.load %arg3[%get3A_17, %get3A_18] : memref<2000x9xf32, #tpu.memory_space<vmem>>, vector<2000x9xf32>
    %get3A_20 = arith.constant 0 : index
    %get3A_21 = arith.constant 0 : index
    %get3A_22 = vector.load %arg5[%get3A_20, %get3A_21] : memref<9x128xf32, #tpu.memory_space<vmem>>, vector<9x128xf32>
    %dot_general3A_23 = arith.constant dense<0.000000e+00> : vector<2000x128xf32>
    %dot_general3A_24 = tpu.matmul %get3A_19, %get3A_22, %dot_general3A_23 {dimension_numbers = #tpu.dot_dimension_numbers<[1], [0], [0], [1], [0, 0, 1, 1], [], []>, transpose_lhs_hint = false} : vector<2000x9xf32>, vector<9x128xf32>, vector<2000x128xf32> -> vector<2000x128xf32>
    %add3A_25 = arith.addf %dot_general3A_16, %dot_general3A_24 : vector<2000x128xf32>
    %get3A_26 = arith.constant 0 : index
    %get3A_27 = arith.constant 0 : index
    %get3A_28 = vector.load %arg6[%get3A_26, %get3A_27] : memref<1x128xf32, #tpu.memory_space<vmem>>, vector<1x128xf32>
    %add3A_29 = vector.broadcast %get3A_28 : vector<1x128xf32> to vector<2000x128xf32>
    %add3A_30 = arith.addf %add3A_25, %add3A_29 : vector<2000x128xf32>
    %max3A = arith.constant 0.000000e+00 : f32
    %max3A_31 = vector.broadcast %max3A : f32 to vector<2000x128xf32>
    %max3A_32 = arith.maximumf %add3A_30, %max3A_31 : vector<2000x128xf32>
    %get3A_33 = arith.constant 0 : index
    %get3A_34 = arith.constant 0 : index
    %get3A_35 = vector.load %arg7[%get3A_33, %get3A_34] : memref<128x256xf32, #tpu.memory_space<vmem>>, vector<128x256xf32>
    %dot_general3A_36 = arith.constant dense<0.000000e+00> : vector<2000x256xf32>
    %dot_general3A_37 = tpu.matmul %max3A_32, %get3A_35, %dot_general3A_36 {dimension_numbers = #tpu.dot_dimension_numbers<[1], [0], [0], [1], [0, 0, 1, 1], [], []>, transpose_lhs_hint = false} : vector<2000x128xf32>, vector<128x256xf32>, vector<2000x256xf32> -> vector<2000x256xf32>
    %get3A_38 = arith.constant 0 : index
    %get3A_39 = arith.constant 0 : index
    %get3A_40 = vector.load %arg8[%get3A_38, %get3A_39] : memref<1x256xf32, #tpu.memory_space<vmem>>, vector<1x256xf32>
    %add3A_41 = vector.broadcast %get3A_40 : vector<1x256xf32> to vector<2000x256xf32>
    %add3A_42 = arith.addf %dot_general3A_37, %add3A_41 : vector<2000x256xf32>
    %slice3A = vector.extract_strided_slice %add3A_42 {offsets = [0, 0], sizes = [2000, 128], strides = [1, 1]} : vector<2000x256xf32> to vector<2000x128xf32>
    %swap3A = arith.constant 0 : index
    %swap3A_43 = arith.constant 0 : index
    %swap3A_44 = vector.load %arg9[%swap3A, %swap3A_43] : memref<2000x128xf32, #tpu.memory_space<vmem>>, vector<2000x128xf32>
    tpu.vector_store %arg9[%swap3A, %swap3A_43], %slice3A {strides = array<i32>} : memref<2000x128xf32, #tpu.memory_space<vmem>>, vector<2000x128xf32>,
    %slice3A_45 = vector.extract_strided_slice %add3A_42 {offsets = [0, 128], sizes = [2000, 128], strides = [1, 1]} : vector<2000x256xf32> to vector<2000x128xf32>
    %swap3A_46 = arith.constant 0 : index
    %swap3A_47 = arith.constant 0 : index
    %swap3A_48 = vector.load %arg10[%swap3A_46, %swap3A_47] : memref<2000x128xf32, #tpu.memory_space<vmem>>, vector<2000x128xf32>
    tpu.vector_store %arg10[%swap3A_46, %swap3A_47], %slice3A_45 {strides = array<i32>} : memref<2000x128xf32, #tpu.memory_space<vmem>>, vector<2000x128xf32>,
    return
  }
  func.func @transform_0(%arg0: i32) -> (i32, i32, i32) {
    %c0_i32 = arith.constant 0 : i32
    %c0_i32_0 = arith.constant 0 : i32
    %c0_i32_1 = arith.constant 0 : i32
    return %c0_i32, %arg0, %c0_i32_0 : i32, i32, i32
  }
  func.func @transform_1(%arg0: i32) -> (i32, i32) {
    %c0_i32 = arith.constant 0 : i32
    %c0_i32_0 = arith.constant 0 : i32
    return %arg0, %c0_i32 : i32, i32
  }
  func.func @transform_2(%arg0: i32) -> (i32, i32) {
    %c0_i32 = arith.constant 0 : i32
    %c0_i32_0 = arith.constant 0 : i32
    return %arg0, %c0_i32 : i32, i32
  }
  func.func @transform_3(%arg0: i32) -> (i32, i32) {
    %c0_i32 = arith.constant 0 : i32
    %c0_i32_0 = arith.constant 0 : i32
    %c0_i32_1 = arith.constant 0 : i32
    return %c0_i32, %c0_i32_0 : i32, i32
  }
  func.func @transform_4(%arg0: i32) -> (i32, i32) {
    %c0_i32 = arith.constant 0 : i32
    %c0_i32_0 = arith.constant 0 : i32
    %c0_i32_1 = arith.constant 0 : i32
    return %c0_i32, %c0_i32_0 : i32, i32
  }
  func.func @transform_5(%arg0: i32) -> (i32, i32) {
    %c0_i32 = arith.constant 0 : i32
    %c0_i32_0 = arith.constant 0 : i32
    %c0_i32_1 = arith.constant 0 : i32
    return %c0_i32, %c0_i32_0 : i32, i32
  }
  func.func @transform_6(%arg0: i32) -> (i32, i32) {
    %c0_i32 = arith.constant 0 : i32
    %c0_i32_0 = arith.constant 0 : i32
    %c0_i32_1 = arith.constant 0 : i32
    return %c0_i32, %c0_i32_0 : i32, i32
  }
  func.func @transform_7(%arg0: i32) -> (i32, i32) {
    %c0_i32 = arith.constant 0 : i32
    %c0_i32_0 = arith.constant 0 : i32
    %c0_i32_1 = arith.constant 0 : i32
    return %c0_i32, %c0_i32_0 : i32, i32
  }
  func.func @transform_8(%arg0: i32) -> (i32, i32) {
    %c0_i32 = arith.constant 0 : i32
    %c0_i32_0 = arith.constant 0 : i32
    return %arg0, %c0_i32 : i32, i32
  }
  func.func @transform_9(%arg0: i32) -> (i32, i32) {
    %c0_i32 = arith.constant 0 : i32
    %c0_i32_0 = arith.constant 0 : i32
    return %arg0, %c0_i32 : i32, i32
  }
}

</mosaic_0001>

<sc_bundles>
// kernel: kernel.5.cloned.1.call-start
scs
__scs_entry_jumppad:
0x0: {  	(pc) =	sbr.rel $0x88, $3  }
0x1: {  	(tag) =	ssettag $0x0;
	lr =	simm.s32 $0x1  }
0x2: {  	[smem:$0x3F94] =	sst lr;
	_ =	strace $0xD0000000  }
0x3: {  	_ = 	snop  }
0x4: {  	_ = 	snop  }
0x5: {  	_ = 	snop  }
0x6: {  	_ = 	snop  }
0x7: {  	_ = 	snop  }
__scs_overlays_trampoline_lowered:
0x8: {  	[smem:$0x3FA3] =	sst s0  }
0x9: {  	[smem:$0x3FA4] =	sst s1  }
0xa: {  	[smem:$0x3FA5] =	sst s2  }
0xb: {  	[smem:$0x3FA6] =	sst s3  }
0xc: {  	[smem:$0x3FA7] =	sst s4  }
0xd: {  	[smem:$0x3FA8] =	sst s5  }
0xe: {  	[smem:$0x3FA9] =	sst s6  }
0xf: {  	[smem:$0x3FAA] =	sst s7  }
0x10: {  	[smem:$0x3FAB] =	sst s8  }
0x11: {  	[smem:$0x3FAC] =	sst s9;
	s0 =	simm.s32 @!p0 $0x0  }
0x12: {  	s1 =	sld [smem:$0x3F92];
	s0 =	simm.s32 @p0 $0x1  }
0x13: {  	[smem:$0x3FAD] =	sst s0;
	s0 =	simm.s32 @!p1 $0x0  }
0x14: {  	s2 =	sld [smem:$0x3F91];
	s0 =	simm.s32 @p1 $0x1  }
0x15: {  	[smem:$0x3FAE] =	sst s0;
	s0 =	simm.s32 @!p2 $0x0  }
0x16: {  	s3 =	sld [smem:$0x3FDB];
	s0 =	simm.s32 @p2 $0x1  }
0x17: {  	s4 =	simm.s32 $0x1BF5;
	[smem:$0x3FB0] =	sst s0  }
0x18: {  	s0 =	sld [smem:$0x3F93];
	_ =	swait.ge [sflag:s4], $0x0  }
0x19: {  	s7 =	sld [smem:$0x3F94]  }
0x1a: {  	s8 =	sadd.s32 $0xFFFFE003, lr  }
0x1b: {  	s9 =	sadd.s32 $0xFFFFFEF7, lr;
	s5 =	simm.s32 $0xFFFFFFFF;
	p2 =	slt.u32 s8, $0xFFFFF086  }
0x1c: {  	p1 =	slt.u32 s9, $0xF7A;
	s5 =	simm.s32 @!p2 $0x0  }
0x1d: {  	s5 =	simm.s32 @p1 $0x1;
	p0 =	seq.s32 s7, s2  }
0x1e: {  	s7 =	smul.u32 @!p0 $0xF7A, s2;
	p2 =	seq.s32 @!p0 s5, $0x0  }
0x1f: {  	s9 =	smul.u32 $0xF7A, s1;
	s8 =	simm.s32 @!p0 $0x1BF5;
	p2 =	por !p2, p0  }
0x20: {  	[sflag:s8] =	ssyncset.s32 @!p0 $0xFFFFF086;
	s6 =	sadd.s32 @!p0 s3, s7;
	s7 =	simm.s32 @!p0 $0x108  }
0x21: {  	s3 =	sadd.s32 s3, s9;
	s6 =	sadd.s32 @!p0 $0x88, s6;
	s7 =	simm.s32 @p2 $0x1082  }
0x22: {  	[simem:s7], [sflag:s8] =	dma.local @!p0 [hbm:s6], $0xF7A  }
0x23: {  	s9 =	sor.u32 $0xD0000000, s2;
	s6 =	simm.s32 $0x108;
	_ =	swait.ge @!p0 [sflag:s8], $0x0  }
0x24: {  	s3 =	sadd.s32 $0x88, s3;
	s6 =	simm.s32 @!p1 $0x1082;
	[sflag:s4] =	ssyncset.s32 $0xFFFFF086  }
0x25: {  	[simem:s6], [sflag:s4] =	dma.local [hbm:s3], $0xF7A  }
0x26: {  	[smem:$0x3F94] =	sst s1;
	(tag) =	ssettag s2;
	_ =	strace s9  }
0x27: {  	s1 =	sld [smem:$0x3FA4]  }
0x28: {  	s2 =	sld [smem:$0x3FA5]  }
0x29: {  	s4 =	sld [smem:$0x3FA7]  }
0x2a: {  	p0 =	seq.s32 s5, $0x0;
	s5 =	sld [smem:$0x3FA8]  }
0x2b: {  	s6 =	sld [smem:$0x3FA9]  }
0x2c: {  	s7 =	sld [smem:$0x3FAA]  }
0x2d: {  	s3 =	simm.s32 $0x108;
	s8 =	sld [smem:$0x3FAB]  }
0x2e: {  	s3 =	simm.s32 @!p0 $0x1082;
	s9 =	sld [smem:$0x3FAC]  }
0x2f: {  	lr =	sadd.s32 s0, s3;
	s0 =	sld [smem:$0x3FA3]  }
0x30: {  	s3 =	sld [smem:$0x3FA6]  }
0x31: {  	[smem:$0x3FAF] =	sst s10  }
0x32: {  	s10 =	sld [smem:$0x3FAD];
	_ =	sdelay $0x3  }
0x33: {  	p0 =	seq.s32 s10, $0x1;
	s10 =	sld [smem:$0x3FAF];
	_ =	sdelay $0x3  }
0x34: {  	[smem:$0x3FAF] =	sst s10  }
0x35: {  	s10 =	sld [smem:$0x3FAE];
	_ =	sdelay $0x3  }
0x36: {  	p1 =	seq.s32 s10, $0x1;
	s10 =	sld [smem:$0x3FAF];
	_ =	sdelay $0x3  }
0x37: {  	[smem:$0x3FAF] =	sst s10  }
0x38: {  	s10 =	sld [smem:$0x3FB0]  }
0x39: {  	_ = 	snop;
	(pc) =	sbr.ind lr, $3  }
0x3a: {  	_ = 	snop  }
0x3b: {  	_ = 	snop  }
0x3c: {  	p2 =	seq.s32 s10, $0x1;
	s10 =	sld [smem:$0x3FAF]  }
0x3d: {  	_ =	shalt  }
0x3e: {  	_ =	shalt  }
0x3f: {  	_ =	shalt  }
0x40: {  	_ =	shalt  }
0x41: {  	_ =	shalt  }
0x42: {  	_ =	shalt  }
0x43: {  	_ =	shalt  }
0x44: {  	_ =	shalt  }
0x45: {  	_ =	shalt  }
0x46: {  	_ =	shalt  }
0x47: {  	_ =	shalt  }
0x48: {  	_ =	shalt  }
0x49: {  	_ =	shalt  }
0x4a: {  	_ =	shalt  }
0x4b: {  	_ =	shalt  }
0x4c: {  	_ =	shalt  }
0x4d: {  	_ =	shalt  }
0x4e: {  	_ =	shalt  }
0x4f: {  	_ =	shalt  }
0x50: {  	_ =	shalt  }
0x51: {  	_ =	shalt  }
0x52: {  	_ =	shalt  }
0x53: {  	_ =	shalt  }
0x54: {  	_ =	shalt  }
0x55: {  	_ =	shalt  }
0x56: {  	_ =	shalt  }
0x57: {  	_ =	shalt  }
0x58: {  	_ =	shalt  }
0x59: {  	_ =	shalt  }
0x5a: {  	_ =	shalt  }
0x5b: {  	_ =	shalt  }
0x5c: {  	_ =	shalt  }
0x5d: {  	_ =	shalt  }
0x5e: {  	_ =	shalt  }
0x5f: {  	_ =	shalt  }
0x60: {  	_ =	shalt  }
0x61: {  	_ =	shalt  }
0x62: {  	_ =	shalt  }
0x63: {  	_ =	shalt  }
0x64: {  	_ =	shalt  }
0x65: {  	_ =	shalt  }
0x66: {  	_ =	shalt  }
0x67: {  	_ =	shalt  }
0x68: {  	_ =	shalt  }
0x69: {  	_ =	shalt  }
0x6a: {  	_ =	shalt  }
0x6b: {  	_ =	shalt  }
0x6c: {  	_ =	shalt  }
0x6d: {  	_ =	shalt  }
0x6e: {  	_ =	shalt  }
0x6f: {  	_ =	shalt  }
0x70: {  	_ =	shalt  }
0x71: {  	_ =	shalt  }
0x72: {  	_ =	shalt  }
0x73: {  	_ =	shalt  }
0x74: {  	_ =	shalt  }
0x75: {  	_ =	shalt  }
0x76: {  	_ =	shalt  }
0x77: {  	_ =	shalt  }
0x78: {  	_ =	shalt  }
0x79: {  	_ =	shalt  }
0x7a: {  	_ =	shalt  }
0x7b: {  	_ =	shalt  }
0x7c: {  	_ =	shalt  }
0x7d: {  	_ =	shalt  }
0x7e: {  	_ =	shalt  }
0x7f: {  	_ =	shalt  }
0x80: {  	_ =	shalt  }
0x81: {  	_ =	shalt  }
0x82: {  	_ =	shalt  }
0x83: {  	_ =	shalt  }
0x84: {  	_ =	shalt  }
0x85: {  	_ =	shalt  }
0x86: {  	_ =	shalt  }
0x87: {  	_ =	shalt  }
.Lfunc_end0:
.L_simem_size_0:
called_computation_lowered:
.L_overlay_start_0:
0x88: {  	s2 =	sld [smem:$0x3FD9]  }
0x89: {  	s3 =	sld [smem:$0x3FFE];
	_ =	sdelay $0x1  }
0x8a: {  	s1 =	srdreg.scid  }
0x8b: {  	s0 =	sand.u32 $0x1, s1  }
0x8c: {  	s14 =	sshll.u32 s0, $0xA;
	s2 =	sadd.s32 s3, s2  }
0x8d: {  	s2 =	sadd.s32 s2, s14  }
0x8e: {  	[smem:$0x3FBB] =	sst s2  }
0x8f: {  	_ = 	snop  }
0x90: {  	s2 =	sld [smem:$0x3FD0];
	_ =	sdelay $0x2  }
0x91: {  	s4 =	simm.s32 $0xA;
	s5 =	simm.s32 $0x10;
	s15 =	sld [smem:$0x3FC6]  }
0x92: {  	[smem:s5], [sflag:s4] =	dma.local [hbm:s2], $0x1  }
0x93: {  	_ =	swait.eq [sflag:s4], $0x1  }
0x94: {  	[sflag:s4] =	ssyncset.done $0x0  }
0x95: {  	[sflag:s4] =	ssyncadd.s32 $0xFFFFFFFF  }
0x96: {  	s16 =	sld [smem:$0x11];
	(tm) =	ssettm $0x1  }
0x97: {  	s17 =	sld [smem:$0x3FFB];
	_ =	sdelay $0x3  }
0x98: {  	_ =	strace s17  }
0x99: {  	s4 =	sld [smem:$0x3FFC];
	_ =	sdelay $0x3  }
0x9a: {  	_ =	strace s4  }
0x9b: {  	s4 =	sld [smem:$0x3FFD];
	_ =	sdelay $0x3  }
0x9c: {  	_ =	strace s4  }
0x9d: {  	_ =	strace $0x8FFFFFFF  }
0x9e: {  	s18 =	sld [smem:$0x3FDB];
	_ =	sdelay $0x1  }
0x9f: {  	s19 =	simm.s32 $_scs_section_size  }
0xa0: {  	s6 =	simm.s32 $_size__tile_overlayer_lowered;
	s7 =	simm.s32 $_tile_overlayer_lowered  }
0xa1: {  	s22 =	simm.s32 $0x1BFF;
	s21 =	sshll.u32 s7, $0x1;
	s4 =	sadd.s32 s19, s18  }
0xa2: {  	s8 =	simm.s32 $0x0;
	s20 =	sshll.u32 s6, $0x1;
	s6 =	sadd.s32 s21, s4  }
0xa3: {  	[timem:s8], [sflag:s22] =	dma.local [hbm:s6], s20  }
0xa4: {  	_ =	swait.ge [sflag:s22], s20  }
0xa5: {  	s5 =	ssub.s32 $0x0, s20;
	[sflag:s22] =	ssyncset.done $0x0  }
0xa6: {  	[sflag:s22] =	ssyncadd.s32 s5;
	_ =	sdelay $0x1  }
0xa7: {  	s23 =	simm.s32 $0x1B8B  }
0xa8: {  	_ =	swait.ge [sflag:s23], $0x1  }
0xa9: {  	[sflag:s23] =	ssyncset.done $0x0  }
0xaa: {  	s25 =	simm.s32 $0x1B8E;
	s24 =	sld [smem:$0x3FFE];
	[sflag:s23] =	ssyncadd.s32 $0xFFFFFFFF  }
0xab: {  	s26 =	simm.s32 $execute0_lowered;
	[smem:$0x3FD2] =	sst s25  }
0xac: {  	s6 =	sshll.u32 s26, $0x1;
	_ =	strace $0x80000046;
	[dreg:$0x1] =	wrdreg $0xFFFFFFFF  }
0xad: {  	s28 =	simm.s32 $_size_execute0_lowered;
	s4 =	sadd.s32 s4, s6;
	[dreg:$0x0] =	wrdreg $0x0  }
0xae: {  	s6 =	sshll.u32 s28, $0x1;
	[dreg:$0x2] =	wrdreg s4  }
0xaf: {  	[dreg:$0x3] =	wrdreg s6  }
0xb0: {  	[dreg:$0x4] =	wrdreg $0xC0  }
0xb1: {  	_ =	task [dreg:s8], $0x5FFFF  }
0xb2: {  	[dreg:$0x1] =	wrdreg $0xFFFFFFFF  }
0xb3: {  	[dreg:$0x0] =	wrdreg $0x60  }
0xb4: {  	[dreg:$0x2] =	wrdreg s24  }
0xb5: {  	[dreg:$0x3] =	wrdreg s15  }
0xb6: {  	[dreg:$0x4] =	wrdreg s16  }
0xb7: {  	[dreg:$0x5] =	wrdreg $0x51000  }
0xb8: {  	[dreg:$0x6] =	wrdreg $0x9  }
0xb9: {  	_ =	task.clear_ibuf [dreg:s8], $0x7FFFF;
	_ =	strace $0x90000046  }
0xba: {  	s29 =	simm.s32 $0x9;
	_ =	strace $0x80000048  }
0xbb: {  	_ =	swait.ge [sflag:s29], $0x1  }
0xbc: {  	[sflag:s29] =	ssyncadd.s32 $0xFFFFFFFF  }
0xbd: {  	_ =	strace $0x90000048  }
0xbe: {  	_ =	sfence  }
0xbf: {  	s30 =	sld [smem:$0x0];
	_ =	sdelay $0x2  }
0xc0: {  	s31 =	sshll.u32 s1, $0xD;
	s1 =	sshrl.u32 s1, $0x2  }
0xc1: {  	s3 =	sand.u32 $0x4000, s31;
	s1 =	sadd.s32 s1, s30  }
0xc2: {  	s0 =	sor.u32 s3, s0;
	s1 =	sshll.u32 s1, $0x11  }
0xc3: {  	s0 =	sor.u32 s1, s0  }
0xc4: {  	s0 =	sadd.s32 $0x8F2B, s0  }
0xc5: {  	[sflag:s0] =	ssyncadd.remote.s32 $0x1  }
0xc6: {  	_ =	sfence.sel $0xFFFF  }
0xc7: {  	[dreg:$0x0] =	wrdreg $0xFFFFFFFF;
	(pc) =	sbr.abs _section_cstart, $3  }
0xc8: {  	[dreg:$0x1] =	wrdreg $0xFFFFFFFF  }
0xc9: {  	_ =	task.clear_ibuf [dreg:s8], $0x2FFFF;
	_ =	strace $0x9FFFFFFF  }
0xca: {  	(tm) =	ssettm $0x7FFFFFFF  }
0xcb: {  	_ =	shalt  }
tec
execute0_lowered:
.L_overlay_start_1:
0x0: {  	(tag) =	ssettag $0x1  }
0x1: {  	s5 =	rddreg [dreg:$0x0]  }
0x2: {  	s1 =	rddreg [dreg:$0x1]  }
0x3: {  	s3 =	rddreg [dreg:$0x3]  }
0x4: {  	s6 =	srdreg.scid;
	s4 =	simm.s32 $0x0;
	s15 =	stileid.u32  }
0x5: {  	s19 =	simm.s32 $0x2800;
	s11 =	sand.u32 $0x1, s6;
	s17 =	smul.u32 $0x2710, s15  }
0x6: {  	[smem:$0x7FF] =	sst s4;
	s13 =	sadd.s32 $0x2400, s5;
	s25 =	smul.u32 $0x27100, s15  }
0x7: {  	p0 =	sne.s32 s15, $0x0;
	s6 =	sshll.u32 s11, $0x4;
	s12 =	smul.u32 $0x27100, s11  }
0x8: {  	s7 =	ssub.s32 $0x2, s11;
	s18 =	smul.u32 $0x271000, s11;
	s6 =	sor.u32 s15, s6  }
0x9: {  	_ =	strace $0x80000047;
	s8 =	sshrl.u32 s7, $0x1;
	s10 =	smul.u32 $0x2710, s6  }
0xa: {  	s9 =	sadd.s32 s12, s5;
	s14 =	ssub.s32 s7, s8;
	s6 =	smul.u32 $0x27100, s6  }
0xb: {  	s17 =	sadd.s32 s17, s12;
	s28 =	sadd.s32 s18, s13;
	s18 =	simm.s32 $0x5080  }
0xc: {  	s9 =	sadd.s32 $0x50C400, s9;
	s29 =	sadd.s32 $0xF0, s17;
	s30 =	sadd.s32 s25, s28  }
0xd: {  	s15 =	sadd.s32 $0xA0, s17;
	s17 =	simm.s32 $0x5000;
	s25 =	simm.s32 $0x5  }
0xe: {  	s20 =	sshrl.u32 s10, $0x3;
	s21 =	sadd.s32 $0x50, s10;
	s6 =	sadd.s32 s13, s6  }
0xf: {  	s23 =	sadd.s32 $0x26C0, s10;
	s10 =	smax.u32 s14, $0x1;
	s31 =	sshrl.u32 s29, $0x3  }
0x10: {  	s5 =	sadd.s32 s1, s20;
	s22 =	sshrl.u32 s21, $0x3;
	s16 =	sshll.u32 s21, $0x4  }
0x11: {  	s24 =	sshrl.u32 s23, $0x3;
	s26 =	sshll.u32 s23, $0x4;
	s14 =	sadd.s32 s31, s1  }
0x12: {  	s20 =	simm.s32 $0x1;
	s21 =	simm.s32 $0x50;
	s23 =	simm.s32 $0x3  }
0x13: {  	s7 =	sadd.s32 s1, s22;
	s8 =	sadd.s32 s13, s16;
	s11 =	sadd.s32 s1, s24  }
0x14: {  	s12 =	sadd.s32 s13, s26;
	s13 =	sadd.s32 $0xF00, s30;
	s16 =	sshrl.u32 @!p0 s3, $0x3  }
0x15: {  	s22 =	simm.s32 $0x2;
	s24 =	simm.s32 $0x4;
	s26 =	simm.s32 $0x0  }
.LBB2_1:
0x16: {  	s28 =	simm.s32 @!p0 $0x1C05;
	s0 =	rddreg [dreg:$0x2]  }
0x17: {  	[spmem:s16], [sflag:s28] =	dma.local @!p0 [hbm:s0], $0x27100  }
0x18: {  	s28 =	simm.s32 @!p0 $0x5  }
0x19: {  	_ =	swait.ge @!p0 [sflag:s28], $0x27100  }
0x1a: {  	[sflag:s28] =	ssyncset.done @!p0 $0x0  }
0x1b: {  	[sflag:s28] =	ssyncadd.s32 @!p0 $0xFFFD8F00  }
0x1c: {  	[bflag:$0x0] =	sbarrier.arrive $0xFFFF  }
0x1d: {  	[tilespmem:s17], [sflag:$0x1] =	stream.linear.gather [hbm4b:s5+s4], $0x50, $0x38;
	[tilespmem:$0x18980] =	vst v63  }
0x1e: {  	_ = 	snop  }
0x1f: {  	[tilespmem:s4], [sflag:$0x1] =	stream.linear.gather [hbm4b:s6+s4], $0x2800, $0x38;
	[tilespmem:$0x18980] =	vst v63  }
0x20: {  	_ = 	snop  }
0x21: {  	[tilespmem:s18], [sflag:$0x2] =	stream.linear.gather [hbm4b:s7+s4], $0x50, $0x38;
	[tilespmem:$0x18980] =	vst v63  }
0x22: {  	_ = 	snop  }
0x23: {  	[tilespmem:s19], [sflag:$0x2] =	stream.linear.gather [hbm4b:s8+s4], $0x2800, $0x38;
	[tilespmem:$0x18980] =	vst v63  }
0x24: {  	_ =	swait.ge [sflag:s20], $0x50  }
0x25: {  	[sflag:s20] =	ssyncset.done $0x0  }
0x26: {  	[sflag:s20] =	ssyncadd.s32 $0xFFFFFFB0  }
0x27: {  	_ =	swait.ge [sflag:s20], $0x2800  }
0x28: {  	[sflag:s20] =	ssyncset.done $0x0  }
0x29: {  	[sflag:s20] =	ssyncadd.s32 $0xFFFFD800  }
0x2a: {  	[spmem:s3] =	stream.indirect.scatter.add.f32 [tilespmem:s4], [sflag:$0x3], $0x80, s17, s21, $0xb8;
	[tilespmem:$0x18980] =	vst v63  }
0x2b: {  	_ =	swait.ge [sflag:s22], $0x50  }
0x2c: {  	[sflag:s22] =	ssyncset.done $0x0  }
0x2d: {  	[sflag:s22] =	ssyncadd.s32 $0xFFFFFFB0  }
0x2e: {  	_ =	swait.ge [sflag:s22], $0x2800  }
0x2f: {  	[sflag:s22] =	ssyncset.done $0x0  }
0x30: {  	[sflag:s22] =	ssyncadd.s32 $0xFFFFD800  }
0x31: {  	[spmem:s3] =	stream.indirect.scatter.add.f32 [tilespmem:s19], [sflag:$0x4], $0x80, s18, s21, $0xb8;
	[tilespmem:$0x18980] =	vst v63  }
0x32: {  	_ =	swait.ge [sflag:s23], $0x2800  }
0x33: {  	s28 =	sshrl.u32 s15, $0x3;
	[sflag:s23] =	ssyncset.done $0x0  }
0x34: {  	s28 =	sadd.s32 s1, s28;
	[sflag:s23] =	ssyncadd.s32 $0xFFFFD800  }
0x35: {  	[tilespmem:s17], [sflag:$0x1] =	stream.linear.gather [hbm4b:s28+s4], $0x50, $0x38;
	[tilespmem:$0x18980] =	vst v63  }
0x36: {  	s28 =	sadd.s32 $0xFFFFFB00, s13  }
0x37: {  	[tilespmem:s4], [sflag:$0x1] =	stream.linear.gather [hbm4b:s28+s4], $0x2800, $0x38;
	[tilespmem:$0x18980] =	vst v63  }
0x38: {  	_ =	swait.ge [sflag:s24], $0x2800  }
0x39: {  	[sflag:s24] =	ssyncset.done $0x0  }
0x3a: {  	s29 =	sadd.s32 $0xA00, s13;
	s28 =	sadd.s32 $0x0, s14;
	[sflag:s24] =	ssyncadd.s32 $0xFFFFD800  }
0x3b: {  	[tilespmem:s18], [sflag:$0x2] =	stream.linear.gather [hbm4b:s28+s4], $0x50, $0x38;
	[tilespmem:$0x18980] =	vst v63  }
0x3c: {  	s30 =	sadd.s32 $0xA0, s15;
	s31 =	smov.u32 s13;
	s28 =	simm.s32 $0x14  }
.LBB2_2:
0x3d: {  	[tilespmem:s19], [sflag:$0x2] =	stream.linear.gather [hbm4b:s31+s4], $0x2800, $0x38;
	[tilespmem:$0x18980] =	vst v63  }
0x3e: {  	s0 =	smov.u32 s28;
	s31 =	smov.u32 s29  }
0x3f: {  	p1 =	sne.s32 s28, $0x4B0;
	s28 =	sadd.s32 $0x14, s28;
	_ =	swait.ge [sflag:s20], $0x50  }
0x40: {  	[sflag:s20] =	ssyncset.done $0x0  }
0x41: {  	[sflag:s20] =	ssyncadd.s32 $0xFFFFFFB0  }
0x42: {  	_ =	swait.ge [sflag:s20], $0x2800  }
0x43: {  	[sflag:s20] =	ssyncset.done $0x0  }
0x44: {  	[sflag:s20] =	ssyncadd.s32 $0xFFFFD800  }
0x45: {  	[spmem:s3] =	stream.indirect.scatter.add.f32 [tilespmem:s4], [sflag:$0x3], $0x80, s17, s21, $0xb8;
	[tilespmem:$0x18980] =	vst v63  }
0x46: {  	_ =	swait.ge [sflag:s22], $0x50  }
0x47: {  	[sflag:s22] =	ssyncset.done $0x0  }
0x48: {  	[sflag:s22] =	ssyncadd.s32 $0xFFFFFFB0  }
0x49: {  	_ =	swait.ge [sflag:s22], $0x2800  }
0x4a: {  	[sflag:s22] =	ssyncset.done $0x0  }
0x4b: {  	[sflag:s22] =	ssyncadd.s32 $0xFFFFD800  }
0x4c: {  	[spmem:s3] =	stream.indirect.scatter.add.f32 [tilespmem:s19], [sflag:$0x4], $0x80, s18, s21, $0xb8;
	[tilespmem:$0x18980] =	vst v63  }
0x4d: {  	_ =	swait.ge [sflag:s23], $0x2800  }
0x4e: {  	s2 =	sshrl.u32 s30, $0x3;
	[sflag:s23] =	ssyncset.done $0x0  }
0x4f: {  	s2 =	sadd.s32 s1, s2;
	[sflag:s23] =	ssyncadd.s32 $0xFFFFD800  }
0x50: {  	[tilespmem:s17], [sflag:$0x1] =	stream.linear.gather [hbm4b:s2+s4], $0x50, $0x38;
	[tilespmem:$0x18980] =	vst v63  }
0x51: {  	s2 =	sadd.s32 $0xFFFFFB00, s29  }
0x52: {  	[tilespmem:s4], [sflag:$0x1] =	stream.linear.gather [hbm4b:s2+s4], $0x2800, $0x38;
	[tilespmem:$0x18980] =	vst v63  }
.Ltmp0:
0x53: {  	_ =	swait.ge [sflag:s24], $0x2800;
	(pc) =	sbr.rel @p1 .LBB2_2-.Ltmp0, $4  }
0x54: {  	[sflag:s24] =	ssyncset.done $0x0  }
0x55: {  	s0 =	sadd.s32 s0, s14;
	[sflag:s24] =	ssyncadd.s32 $0xFFFFD800  }
0x56: {  	[tilespmem:s18], [sflag:$0x2] =	stream.linear.gather [hbm4b:s0+s4], $0x50, $0x38;
	[tilespmem:$0x18980] =	vst v63  }
0x57: {  	s30 =	sadd.s32 $0xA0, s30;
	s29 =	sadd.s32 $0xA00, s29  }
0x58: {  	[tilespmem:s19], [sflag:$0x2] =	stream.linear.gather [hbm4b:s31+s4], $0x2800, $0x38;
	[tilespmem:$0x18980] =	vst v63  }
0x59: {  	_ =	swait.ge [sflag:s20], $0x50  }
0x5a: {  	[sflag:s20] =	ssyncset.done $0x0  }
0x5b: {  	[sflag:s20] =	ssyncadd.s32 $0xFFFFFFB0  }
0x5c: {  	_ =	swait.ge [sflag:s20], $0x2800  }
0x5d: {  	[sflag:s20] =	ssyncset.done $0x0  }
0x5e: {  	[sflag:s20] =	ssyncadd.s32 $0xFFFFD800  }
0x5f: {  	[spmem:s3] =	stream.indirect.scatter.add.f32 [tilespmem:s4], [sflag:$0x3], $0x80, s17, s21, $0xb8;
	[tilespmem:$0x18980] =	vst v63  }
0x60: {  	_ =	swait.ge [sflag:s22], $0x50  }
0x61: {  	[sflag:s22] =	ssyncset.done $0x0  }
0x62: {  	[sflag:s22] =	ssyncadd.s32 $0xFFFFFFB0  }
0x63: {  	_ =	swait.ge [sflag:s22], $0x2800  }
0x64: {  	[sflag:s22] =	ssyncset.done $0x0  }
0x65: {  	[sflag:s22] =	ssyncadd.s32 $0xFFFFD800  }
0x66: {  	[spmem:s3] =	stream.indirect.scatter.add.f32 [tilespmem:s19], [sflag:$0x4], $0x80, s18, s21, $0xb8;
	[tilespmem:$0x18980] =	vst v63  }
0x67: {  	_ =	swait.ge [sflag:s23], $0x2800  }
0x68: {  	[sflag:s23] =	ssyncset.done $0x0  }
0x69: {  	[sflag:s23] =	ssyncadd.s32 $0xFFFFD800  }
0x6a: {  	[tilespmem:s17], [sflag:$0x1] =	stream.linear.gather [hbm4b:s11+s4], $0x50, $0x38;
	[tilespmem:$0x18980] =	vst v63  }
0x6b: {  	_ = 	snop  }
0x6c: {  	[tilespmem:s4], [sflag:$0x1] =	stream.linear.gather [hbm4b:s12+s4], $0x2800, $0x38;
	[tilespmem:$0x18980] =	vst v63  }
0x6d: {  	_ =	swait.ge [sflag:s24], $0x2800  }
0x6e: {  	[sflag:s24] =	ssyncset.done $0x0  }
0x6f: {  	[sflag:s24] =	ssyncadd.s32 $0xFFFFD800  }
0x70: {  	_ =	swait.ge [sflag:s20], $0x50  }
0x71: {  	[sflag:s20] =	ssyncset.done $0x0  }
0x72: {  	[sflag:s20] =	ssyncadd.s32 $0xFFFFFFB0  }
0x73: {  	_ =	swait.ge [sflag:s20], $0x2800  }
0x74: {  	[sflag:s20] =	ssyncset.done $0x0  }
0x75: {  	[sflag:s20] =	ssyncadd.s32 $0xFFFFD800  }
0x76: {  	[spmem:s3] =	stream.indirect.scatter.add.f32 [tilespmem:s4], [sflag:$0x5], $0x80, s17, s21, $0xb8;
	[tilespmem:$0x18980] =	vst v63  }
0x77: {  	_ =	swait.ge [sflag:s25], $0x2800  }
0x78: {  	[sflag:s25] =	ssyncset.done $0x0  }
0x79: {  	s26 =	sadd.s32 $0x1, s26;
	[sflag:s25] =	ssyncadd.s32 $0xFFFFD800  }
0x7a: {  	s0 =	simm.s32 @!p0 $0x1C05;
	p1 =	sne.s32 s26, s10;
	[bflag:$0x0] =	sbarrier.arrive $0xFFFF  }
0x7b: {  	[hbm:s9], [sflag:s0] =	dma.local @!p0 [spmem:s16], $0x27100  }
.Ltmp1:
0x7c: {  	_ = 	snop;
	(pc) =	sbr.rel @p1 .LBB2_1-.Ltmp1, $4  }
0x7d: {  	s0 =	simm.s32 @!p0 $0x5  }
0x7e: {  	_ =	swait.ge @!p0 [sflag:s0], $0x27100  }
0x7f: {  	[sflag:s0] =	ssyncset.done @!p0 $0x0  }
0x80: {  	[sflag:s0] =	ssyncadd.s32 @!p0 $0xFFFD8F00  }
0x81: {  	_ =	sfence.sel $0x180000  }
0x82: {  	[bflag:$0x0] =	sbarrier.arrive $0xFFFF  }
0x83: {  	_ =	strace $0x90000047  }
0x84: {  	[bflag:$0x2] =	sbarrier.arrive $0xFFFF  }
0x85: {  	s0 =	rddreg [dreg:$0x4]  }
0x86: {  	s0 =	sadd.s32 @!p0 $0x100000, s0  }
0x87: {  	[sflag:s0] =	ssyncadd.tile.s32 @!p0 $0x1;
	_ =	shalt  }
.Lfunc_end2:
_tile_overlayer_lowered:
.L_overlay_start_2:
0x88: {  	(tag) =	ssettag $0x2  }
0x89: {  	s0 =	rddreg [dreg:$0x0];
	s2 =	stileid.u32  }
0x8a: {  	s1 =	rddreg [dreg:$0x1];
	p0 =	sne.s32 s2, $0x0  }
0x8b: {  	s3 =	rddreg [dreg:$0x2];
	[bflag:$0x3] =	sbarrier.arrive $0xFFFF;
	s2 =	simm.s32 @!p0 $0x1C05  }
0x8c: {  	[timem:s3], [sflag:s2] =	dma.local @!p0 [hbm:s0], s1  }
0x8d: {  	s0 =	simm.s32 @!p0 $0x5  }
0x8e: {  	_ =	swait.ge @!p0 [sflag:s0], s1  }
0x8f: {  	s1 =	ssub.s32 @!p0 $0x0, s1;
	[sflag:s0] =	ssyncset.done @!p0 $0x0  }
0x90: {  	[sflag:s0] =	ssyncadd.s32 @!p0 s1  }
0x91: {  	[bflag:$0x3] =	sbarrier.arrive $0xFFFF  }
0x92: {  	_ =	shalt  }

</sc_bundles>
